<compile_context>
chip_gen: v7x
topology: tpu7x:2x2x1
jax: 0.10.2.dev20260603
libtpu: 0.0.44.dev20260713+nightly
codegen_flags: <defaults>
</compile_context>

<pallas_src>
import functools

import jax
import jax.numpy as jnp
from jax import lax
from jax.experimental import pallas as pl
from jax.experimental.pallas import tpu as pltpu
from jax.experimental.pallas import tpu_sc as plsc

_B, _P, _NS = 16, 16384, 1024
_L = 16
_U = 16
_NGRP = _P // _L


def _fps_tile(px_hbm, py_hbm, pz_hbm, oi_hbm, ox_hbm, oy_hbm, oz_hbm,
              px_v, py_v, pz_v, dist_v, oi_v, ox_v, oy_v, oz_v):
    c = lax.axis_index("c")
    s = lax.axis_index("s")
    b = c * 8 + s

    @pl.when(s < 8)
    def _():
        pltpu.sync_copy(px_hbm.at[pl.ds(b * _P, _P)], px_v)
        pltpu.sync_copy(py_hbm.at[pl.ds(b * _P, _P)], py_v)
        pltpu.sync_copy(pz_hbm.at[pl.ds(b * _P, _P)], pz_v)

        lanes = lax.iota(jnp.int32, _L)
        big = jnp.full((_L,), 1e10, jnp.float32)
        neg = jnp.full((_L,), -1e30, jnp.float32)

        def init_body(g, carry):
            dist_v[pl.ds(g * _L, _L)] = big
            return carry

        lax.fori_loop(0, _NGRP, init_body, 0)

        def fetch(ref, gi, lm):
            grp = ref[pl.ds(gi * _L, _L)]
            return jnp.max(jnp.where(lanes == lm, grp, neg))

        zero = jnp.int32(0)
        cx0 = fetch(px_v, zero, zero)
        cy0 = fetch(py_v, zero, zero)
        cz0 = fetch(pz_v, zero, zero)
        zvec = jnp.zeros((_L,), jnp.float32)

        def sample_body(si, carry):
            cur, cx, cy, cz, ai, ax, ay, az = carry
            sl = si % _L
            ai = jnp.where(lanes == sl, cur, ai)
            ax = jnp.where(lanes == sl, cx, ax)
            ay = jnp.where(lanes == sl, cy, ay)
            az = jnp.where(lanes == sl, cz, az)

            @pl.when(sl == _L - 1)
            def _():
                base = (si // _L) * _L
                oi_v[pl.ds(base, _L)] = ai
                ox_v[pl.ds(base, _L)] = ax
                oy_v[pl.ds(base, _L)] = ay
                oz_v[pl.ds(base, _L)] = az

            def g_body(g, gc):
                bv, bi = gc
                gbase = g * (_U * _L)
                dds = []
                for u in range(_U):
                    off = gbase + u * _L
                    px = px_v[pl.ds(off, _L)]
                    py = py_v[pl.ds(off, _L)]
                    pz = pz_v[pl.ds(off, _L)]
                    dx = px - cx
                    dy = py - cy
                    dz = pz - cz
                    d = (dx * dx + dy * dy) + dz * dz
                    dd = jnp.minimum(dist_v[pl.ds(off, _L)], d)
                    dds.append(dd)
                    upd = dd > bv
                    bv = jnp.where(upd, dd, bv)
                    bi = jnp.where(upd, off + lanes, bi)
                for u in range(_U):
                    dist_v[pl.ds(gbase + u * _L, _L)] = dds[u]
                return bv, bi

            bv0 = jnp.full((_L,), -1.0, jnp.float32)
            bi0 = jnp.zeros((_L,), jnp.int32)
            bv, bi = lax.fori_loop(0, _NGRP // _U, g_body, (bv0, bi0))

            m = jnp.max(bv)
            cand = jnp.where(bv == m, bi, _P)
            li = jnp.min(cand)
            gi, lm = li // _L, li % _L
            ncx = fetch(px_v, gi, lm)
            ncy = fetch(py_v, gi, lm)
            ncz = fetch(pz_v, gi, lm)
            return li, ncx, ncy, ncz, ai, ax, ay, az

        lax.fori_loop(0, _NS, sample_body,
                      (zero, cx0, cy0, cz0,
                       jnp.zeros((_L,), jnp.int32), zvec, zvec, zvec))

        pltpu.sync_copy(oi_v, oi_hbm.at[pl.ds(b * _NS, _NS)])
        pltpu.sync_copy(ox_v, ox_hbm.at[pl.ds(b * _NS, _NS)])
        pltpu.sync_copy(oy_v, oy_hbm.at[pl.ds(b * _NS, _NS)])
        pltpu.sync_copy(oz_v, oz_hbm.at[pl.ds(b * _NS, _NS)])


@jax.jit
def _run_sc(points):
    pts = jnp.transpose(points, (2, 0, 1))
    px = pts[0].reshape(_B * _P)
    py = pts[1].reshape(_B * _P)
    pz = pts[2].reshape(_B * _P)
    mesh = plsc.VectorSubcoreMesh(core_axis_name="c", subcore_axis_name="s")
    fn = pl.kernel(
        _fps_tile,
        out_type=[
            jax.ShapeDtypeStruct((_B * _NS,), jnp.int32),
            jax.ShapeDtypeStruct((_B * _NS,), jnp.float32),
            jax.ShapeDtypeStruct((_B * _NS,), jnp.float32),
            jax.ShapeDtypeStruct((_B * _NS,), jnp.float32),
        ],
        mesh=mesh,
        compiler_params=pltpu.CompilerParams(needs_layout_passes=False),
        scratch_types=[
            pltpu.VMEM((_P,), jnp.float32),
            pltpu.VMEM((_P,), jnp.float32),
            pltpu.VMEM((_P,), jnp.float32),
            pltpu.VMEM((_P,), jnp.float32),
            pltpu.VMEM((_NS,), jnp.int32),
            pltpu.VMEM((_NS,), jnp.float32),
            pltpu.VMEM((_NS,), jnp.float32),
            pltpu.VMEM((_NS,), jnp.float32),
        ],
    )
    oi, ox, oy, oz = fn(px, py, pz)
    oi = oi.reshape(_B, _NS)
    sampled = jnp.stack([ox.reshape(_B, _NS), oy.reshape(_B, _NS),
                         oz.reshape(_B, _NS)], axis=-1)
    return oi, sampled


def kernel(points, nsamples, kd_depth, return_gathered):
    return _run_sc(points)

# --- scband reference (transcript-rebuilt; emitter-appended) ---
"""Pipeline reference for scband-quick-fpsfunction-38001870635079 (READ-ONLY COPY).

The authoritative reference and input builder live on the scoring server;
editing this copy changes nothing except your own understanding.
"""

import jax, jax.numpy as jnp
import numpy as np


def _fps(points, nsamples):
    """Furthest point sampling (reference semantics of Quick FPS).

    points: (B, P, 3) float32
    returns indices: (B, nsamples) int32
    """
    B, P, _ = points.shape
    batch = jnp.arange(B)

    def step(carry, _):
        dist, farthest = carry
        centroid = points[batch, farthest]  # (B, 3) gather
        d = jnp.sum((points - centroid[:, None, :]) ** 2, axis=-1)  # (B, P)
        dist = jnp.minimum(dist, d)
        nxt = jnp.argmax(dist, axis=-1).astype(jnp.int32)
        return (dist, nxt), farthest

    init = (jnp.full((B, P), 1e10, dtype=jnp.float32),
            jnp.zeros((B,), dtype=jnp.int32))
    _, idx_seq = jax.lax.scan(step, init, None, length=nsamples)
    return jnp.transpose(idx_seq)  # (B, nsamples)


def setup_inputs(seed: int = 0) -> dict:
    key = jax.random.key(seed)
    points = jax.random.normal(key, (16, 16384, 3), dtype=jnp.float32)
    return {"points": points, "nsamples": 1024, "kd_depth": 6, "return_gathered": 1}


def reference(points, nsamples, kd_depth=6, return_gathered=1):
    # kd_depth only controls the spatial-partitioning speedup in the CUDA
    # kernel; the sampled result follows furthest-point-sampling semantics.
    NSAMPLES = 1024
    indices = _fps(points, NSAMPLES)
    zero = (jnp.asarray(nsamples, dtype=jnp.int32) * 0
            + jnp.asarray(kd_depth, dtype=jnp.int32) * 0
            + jnp.asarray(return_gathered, dtype=jnp.int32) * 0)
    indices = indices + zero
    # gather_points: equivalent to indexing points along the P axis
    sampled = jnp.take_along_axis(points, indices[..., None], axis=1)  # (B, nsamples, 3)
    return (indices, sampled)

if __name__ == "__main__":
    import jax
    _d = setup_inputs()
    print(jax.jit(kernel)(*tuple(_d.values())))

</pallas_src>

<mosaic_0001>
#map = affine_map<(d0, d1) -> (0)>
module attributes {stable_mosaic.version = 14 : i64} {
  func.func @_fps_tile(%arg0: i32, %arg1: i32, %arg2: memref<262144xf32, #tpu.memory_space<hbm>>, %arg3: memref<262144xf32, #tpu.memory_space<hbm>>, %arg4: memref<262144xf32, #tpu.memory_space<hbm>>, %arg5: memref<16384xi32, #tpu.memory_space<hbm>>, %arg6: memref<16384xf32, #tpu.memory_space<hbm>>, %arg7: memref<16384xf32, #tpu.memory_space<hbm>>, %arg8: memref<16384xf32, #tpu.memory_space<hbm>>, %arg9: memref<16384xf32, #tpu.memory_space<vmem>>, %arg10: memref<16384xf32, #tpu.memory_space<vmem>>, %arg11: memref<16384xf32, #tpu.memory_space<vmem>>, %arg12: memref<16384xf32, #tpu.memory_space<vmem>>, %arg13: memref<1024xi32, #tpu.memory_space<vmem>>, %arg14: memref<1024xf32, #tpu.memory_space<vmem>>, %arg15: memref<1024xf32, #tpu.memory_space<vmem>>, %arg16: memref<1024xf32, #tpu.memory_space<vmem>>) attributes {dimension_semantics = [#tpu.dimension_semantics<core_parallel>, #tpu.dimension_semantics<subcore_parallel>], iteration_bounds = array<i64: 2, 16>, scalar_prefetch = 0 : i64, scratch_operands = 8 : i64, tpu.core_type = #tpu.core_type<sc_vector_subcore>, window_params = [{transform_indices = #map}, {transform_indices = #map}, {transform_indices = #map}, {transform_indices = #map}, {transform_indices = #map}, {transform_indices = #map}, {transform_indices = #map}]} {
    %mul3A = arith.constant 8 : i32
    %mul3A_0 = arith.muli %arg0, %mul3A : i32
    %add3A = arith.addi %mul3A_0, %arg1 : i32
    %lt3A = arith.constant 8 : i32
    %lt3A_1 = arith.cmpi slt, %arg1, %lt3A : i32
    %convert_element_type3A = arith.extui %lt3A_1 : i1 to i32
    %cond3A = arith.constant 0 : i32
    %cond3A_2 = arith.cmpi ne, %convert_element_type3A, %cond3A : i32
    scf.if %cond3A_2 {
      %mul3A_3 = arith.constant 16384 : i32
      %mul3A_4 = arith.muli %add3A, %mul3A_3 : i32
      "tpu.region"() ({
        %run_scoped3A = tpu.sem_alloc : memref<!tpu.dma_semaphore, #tpu.memory_space<semaphore_mem>>
        %dma_start3A = tpu.memref_slice %arg2[%mul3A_4] : memref<262144xf32, #tpu.memory_space<hbm>> -> memref<16384xf32, #tpu.memory_space<hbm>>
        %dma_start3A_71 = tpu.memref_slice %arg2[%mul3A_4] : memref<262144xf32, #tpu.memory_space<hbm>> -> memref<16384xf32, #tpu.memory_space<hbm>>
        tpu.enqueue_dma source(%dma_start3A_71 : memref<16384xf32, #tpu.memory_space<hbm>>) target(%arg9 : memref<16384xf32, #tpu.memory_space<vmem>>) target_semaphore(%run_scoped3A : memref<!tpu.dma_semaphore, #tpu.memory_space<semaphore_mem>>)
        %dma_wait3A = tpu.memref_slice %arg2[%mul3A_4] : memref<262144xf32, #tpu.memory_space<hbm>> -> memref<16384xf32, #tpu.memory_space<hbm>>
        %dma_wait3A_72 = tpu.memref_slice %arg2[%mul3A_4] : memref<262144xf32, #tpu.memory_space<hbm>> -> memref<16384xf32, #tpu.memory_space<hbm>>
        tpu.wait_dma2 semaphore(%run_scoped3A : memref<!tpu.dma_semaphore, #tpu.memory_space<semaphore_mem>>) src(%dma_wait3A_72 : memref<16384xf32, #tpu.memory_space<hbm>>) dst(%arg9 : memref<16384xf32, #tpu.memory_space<vmem>>)
        tpu.yield
      }) : () -> ()
      %mul3A_5 = arith.constant 16384 : i32
      %mul3A_6 = arith.muli %add3A, %mul3A_5 : i32
      "tpu.region"() ({
        %run_scoped3A = tpu.sem_alloc : memref<!tpu.dma_semaphore, #tpu.memory_space<semaphore_mem>>
        %dma_start3A = tpu.memref_slice %arg3[%mul3A_6] : memref<262144xf32, #tpu.memory_space<hbm>> -> memref<16384xf32, #tpu.memory_space<hbm>>
        %dma_start3A_71 = tpu.memref_slice %arg3[%mul3A_6] : memref<262144xf32, #tpu.memory_space<hbm>> -> memref<16384xf32, #tpu.memory_space<hbm>>
        tpu.enqueue_dma source(%dma_start3A_71 : memref<16384xf32, #tpu.memory_space<hbm>>) target(%arg10 : memref<16384xf32, #tpu.memory_space<vmem>>) target_semaphore(%run_scoped3A : memref<!tpu.dma_semaphore, #tpu.memory_space<semaphore_mem>>)
        %dma_wait3A = tpu.memref_slice %arg3[%mul3A_6] : memref<262144xf32, #tpu.memory_space<hbm>> -> memref<16384xf32, #tpu.memory_space<hbm>>
        %dma_wait3A_72 = tpu.memref_slice %arg3[%mul3A_6] : memref<262144xf32, #tpu.memory_space<hbm>> -> memref<16384xf32, #tpu.memory_space<hbm>>
        tpu.wait_dma2 semaphore(%run_scoped3A : memref<!tpu.dma_semaphore, #tpu.memory_space<semaphore_mem>>) src(%dma_wait3A_72 : memref<16384xf32, #tpu.memory_space<hbm>>) dst(%arg10 : memref<16384xf32, #tpu.memory_space<vmem>>)
        tpu.yield
      }) : () -> ()
      %mul3A_7 = arith.constant 16384 : i32
      %mul3A_8 = arith.muli %add3A, %mul3A_7 : i32
      "tpu.region"() ({
        %run_scoped3A = tpu.sem_alloc : memref<!tpu.dma_semaphore, #tpu.memory_space<semaphore_mem>>
        %dma_start3A = tpu.memref_slice %arg4[%mul3A_8] : memref<262144xf32, #tpu.memory_space<hbm>> -> memref<16384xf32, #tpu.memory_space<hbm>>
        %dma_start3A_71 = tpu.memref_slice %arg4[%mul3A_8] : memref<262144xf32, #tpu.memory_space<hbm>> -> memref<16384xf32, #tpu.memory_space<hbm>>
        tpu.enqueue_dma source(%dma_start3A_71 : memref<16384xf32, #tpu.memory_space<hbm>>) target(%arg11 : memref<16384xf32, #tpu.memory_space<vmem>>) target_semaphore(%run_scoped3A : memref<!tpu.dma_semaphore, #tpu.memory_space<semaphore_mem>>)
        %dma_wait3A = tpu.memref_slice %arg4[%mul3A_8] : memref<262144xf32, #tpu.memory_space<hbm>> -> memref<16384xf32, #tpu.memory_space<hbm>>
        %dma_wait3A_72 = tpu.memref_slice %arg4[%mul3A_8] : memref<262144xf32, #tpu.memory_space<hbm>> -> memref<16384xf32, #tpu.memory_space<hbm>>
        tpu.wait_dma2 semaphore(%run_scoped3A : memref<!tpu.dma_semaphore, #tpu.memory_space<semaphore_mem>>) src(%dma_wait3A_72 : memref<16384xf32, #tpu.memory_space<hbm>>) dst(%arg11 : memref<16384xf32, #tpu.memory_space<vmem>>)
        tpu.yield
      }) : () -> ()
      %iota3A = tpu.iota {dimensions = array<i32: 0>} : vector<16xi32>
      %broadcast_in_dim3A = arith.constant 1.000000e+10 : f32
      %broadcast_in_dim3A_9 = vector.broadcast %broadcast_in_dim3A : f32 to vector<16xf32>
      %broadcast_in_dim3A_10 = arith.constant -1.000000e+30 : f32
      %broadcast_in_dim3A_11 = vector.broadcast %broadcast_in_dim3A_10 : f32 to vector<16xf32>
      %scan3A = arith.constant 0 : i32
      %scan3A_12 = arith.constant 0 : i32
      %scan3A_13 = arith.constant 1024 : i32
      %scan3A_14 = arith.addi %scan3A_12, %scan3A_13 : i32
      %scan3A_15 = arith.constant 1 : i32
      scf.for %scan3A_71 = %scan3A_12 to %scan3A_14 step %scan3A_15  : i32 {
        %mul3A_72 = arith.constant 16 : i32
        %mul3A_73 = arith.muli %scan3A_71, %mul3A_72 : i32
        %swap3A = arith.index_cast %mul3A_73 : i32 to index
        %swap3A_74 = tpu.vector_load %arg12[%swap3A] {strides = array<i32>} : memref<16384xf32, #tpu.memory_space<vmem>>, vector<16xf32>,
        tpu.vector_store %arg12[%swap3A], %broadcast_in_dim3A_9 {strides = array<i32>} : memref<16384xf32, #tpu.memory_space<vmem>>, vector<16xf32>,
      }
      %scan3A_16 = arith.constant 1024 : i32
      %mul3A_17 = arith.constant 0 : i32
      %mul3A_18 = arith.constant 16 : i32
      %mul3A_19 = arith.muli %mul3A_17, %mul3A_18 : i32
      %get3A = arith.index_cast %mul3A_19 : i32 to index
      %get3A_20 = tpu.vector_load %arg9[%get3A] {strides = array<i32>} : memref<16384xf32, #tpu.memory_space<vmem>>, vector<16xf32>,
      %eq3A = arith.constant 0 : i32
      %eq3A_21 = vector.broadcast %eq3A : i32 to vector<16xi32>
      %eq3A_22 = arith.cmpi eq, %iota3A, %eq3A_21 : vector<16xi32>
      %select_n3A = arith.select %eq3A_22, %get3A_20, %broadcast_in_dim3A_11 : vector<16xi1>, vector<16xf32>
      %reduce_max3A = arith.constant true
      %reduce_max3A_23 = vector.broadcast %reduce_max3A : i1 to vector<16xi1>
      %reduce_max3A_24 = tpu.scan <max>, %select_n3A masked %reduce_max3A_23 : vector<16xf32>, vector<16xi1> -> vector<16xf32>
      %reduce_max3A_25 = vector.extract %reduce_max3A_24[15] : f32 from vector<16xf32>
      %mul3A_26 = arith.constant 0 : i32
      %mul3A_27 = arith.constant 16 : i32
      %mul3A_28 = arith.muli %mul3A_26, %mul3A_27 : i32
      %get3A_29 = arith.index_cast %mul3A_28 : i32 to index
      %get3A_30 = tpu.vector_load %arg10[%get3A_29] {strides = array<i32>} : memref<16384xf32, #tpu.memory_space<vmem>>, vector<16xf32>,
      %eq3A_31 = arith.constant 0 : i32
      %eq3A_32 = vector.broadcast %eq3A_31 : i32 to vector<16xi32>
      %eq3A_33 = arith.cmpi eq, %iota3A, %eq3A_32 : vector<16xi32>
      %select_n3A_34 = arith.select %eq3A_33, %get3A_30, %broadcast_in_dim3A_11 : vector<16xi1>, vector<16xf32>
      %reduce_max3A_35 = arith.constant true
      %reduce_max3A_36 = vector.broadcast %reduce_max3A_35 : i1 to vector<16xi1>
      %reduce_max3A_37 = tpu.scan <max>, %select_n3A_34 masked %reduce_max3A_36 : vector<16xf32>, vector<16xi1> -> vector<16xf32>
      %reduce_max3A_38 = vector.extract %reduce_max3A_37[15] : f32 from vector<16xf32>
      %mul3A_39 = arith.constant 0 : i32
      %mul3A_40 = arith.constant 16 : i32
      %mul3A_41 = arith.muli %mul3A_39, %mul3A_40 : i32
      %get3A_42 = arith.index_cast %mul3A_41 : i32 to index
      %get3A_43 = tpu.vector_load %arg11[%get3A_42] {strides = array<i32>} : memref<16384xf32, #tpu.memory_space<vmem>>, vector<16xf32>,
      %eq3A_44 = arith.constant 0 : i32
      %eq3A_45 = vector.broadcast %eq3A_44 : i32 to vector<16xi32>
      %eq3A_46 = arith.cmpi eq, %iota3A, %eq3A_45 : vector<16xi32>
      %select_n3A_47 = arith.select %eq3A_46, %get3A_43, %broadcast_in_dim3A_11 : vector<16xi1>, vector<16xf32>
      %reduce_max3A_48 = arith.constant true
      %reduce_max3A_49 = vector.broadcast %reduce_max3A_48 : i1 to vector<16xi1>
      %reduce_max3A_50 = tpu.scan <max>, %select_n3A_47 masked %reduce_max3A_49 : vector<16xf32>, vector<16xi1> -> vector<16xf32>
      %reduce_max3A_51 = vector.extract %reduce_max3A_50[15] : f32 from vector<16xf32>
      %broadcast_in_dim3A_52 = arith.constant 0.000000e+00 : f32
      %broadcast_in_dim3A_53 = vector.broadcast %broadcast_in_dim3A_52 : f32 to vector<16xf32>
      %broadcast_in_dim3A_54 = arith.constant 0 : i32
      %broadcast_in_dim3A_55 = vector.broadcast %broadcast_in_dim3A_54 : i32 to vector<16xi32>
      %scan3A_56 = arith.constant 0 : i32
      %scan3A_57 = arith.constant 0 : i32
      %scan3A_58 = arith.constant 1024 : i32
      %scan3A_59 = arith.addi %scan3A_57, %scan3A_58 : i32
      %scan3A_60 = arith.constant 1 : i32
      %scan3A_61:8 = scf.for %scan3A_71 = %scan3A_57 to %scan3A_59 step %scan3A_60 iter_args(%scan3A_72 = %scan3A_56, %scan3A_73 = %reduce_max3A_25, %scan3A_74 = %reduce_max3A_38, %scan3A_75 = %reduce_max3A_51, %scan3A_76 = %broadcast_in_dim3A_55, %scan3A_77 = %broadcast_in_dim3A_53, %scan3A_78 = %broadcast_in_dim3A_53, %scan3A_79 = %broadcast_in_dim3A_53) -> (i32, f32, f32, f32, vector<16xi32>, vector<16xf32>, vector<16xf32>, vector<16xf32>)  : i32 {
        %jit3A = arith.constant 16 : i32
        %eq3A_80 = arith.constant 0 : i32
        %eq3A_81 = arith.cmpi eq, %jit3A, %eq3A_80 : i32
        %jit3A_82 = arith.constant 1 : i32
        %select_n3A_83 = arith.select %eq3A_81, %jit3A_82, %jit3A : i32
        %rem3A = arith.remsi %scan3A_71, %select_n3A_83 : i32
        %ne3A = arith.constant 0 : i32
        %ne3A_84 = arith.cmpi ne, %rem3A, %ne3A : i32
        %lt3A_85 = arith.constant 0 : i32
        %lt3A_86 = arith.cmpi slt, %rem3A, %lt3A_85 : i32
        %lt3A_87 = arith.constant 0 : i32
        %lt3A_88 = arith.cmpi slt, %select_n3A_83, %lt3A_87 : i32
        %ne3A_89 = arith.xori %lt3A_86, %lt3A_88 : i1
        %and3A = arith.andi %ne3A_89, %ne3A_84 : i1
        %add3A_90 = arith.addi %rem3A, %select_n3A_83 : i32
        %select_n3A_91 = arith.select %and3A, %add3A_90, %rem3A : i32
        %eq3A_92 = vector.broadcast %select_n3A_91 : i32 to vector<16xi32>
        %eq3A_93 = arith.cmpi eq, %iota3A, %eq3A_92 : vector<16xi32>
        %broadcast_in_dim3A_94 = vector.broadcast %scan3A_72 : i32 to vector<16xi32>
        %select_n3A_95 = arith.select %eq3A_93, %broadcast_in_dim3A_94, %scan3A_76 : vector<16xi1>, vector<16xi32>
        %eq3A_96 = vector.broadcast %select_n3A_91 : i32 to vector<16xi32>
        %eq3A_97 = arith.cmpi eq, %iota3A, %eq3A_96 : vector<16xi32>
        %broadcast_in_dim3A_98 = vector.broadcast %scan3A_73 : f32 to vector<16xf32>
        %select_n3A_99 = arith.select %eq3A_97, %broadcast_in_dim3A_98, %scan3A_77 : vector<16xi1>, vector<16xf32>
        %eq3A_100 = vector.broadcast %select_n3A_91 : i32 to vector<16xi32>
        %eq3A_101 = arith.cmpi eq, %iota3A, %eq3A_100 : vector<16xi32>
        %broadcast_in_dim3A_102 = vector.broadcast %scan3A_74 : f32 to vector<16xf32>
        %select_n3A_103 = arith.select %eq3A_101, %broadcast_in_dim3A_102, %scan3A_78 : vector<16xi1>, vector<16xf32>
        %eq3A_104 = vector.broadcast %select_n3A_91 : i32 to vector<16xi32>
        %eq3A_105 = arith.cmpi eq, %iota3A, %eq3A_104 : vector<16xi32>
        %broadcast_in_dim3A_106 = vector.broadcast %scan3A_75 : f32 to vector<16xf32>
        %select_n3A_107 = arith.select %eq3A_105, %broadcast_in_dim3A_106, %scan3A_79 : vector<16xi1>, vector<16xf32>
        %eq3A_108 = arith.constant 15 : i32
        %eq3A_109 = arith.cmpi eq, %select_n3A_91, %eq3A_108 : i32
        %convert_element_type3A_110 = arith.extui %eq3A_109 : i1 to i32
        %cond3A_111 = arith.constant 0 : i32
        %cond3A_112 = arith.cmpi ne, %convert_element_type3A_110, %cond3A_111 : i32
        scf.if %cond3A_112 {
          %jit3A_209 = arith.constant 16 : i32
          %div3A_210 = arith.divsi %scan3A_71, %jit3A_209 : i32
          %sign3A_211 = arith.constant 0 : i32
          %sign3A_212 = arith.cmpi sgt, %scan3A_71, %sign3A_211 : i32
          %sign3A_213 = arith.extui %sign3A_212 : i1 to i32
          %sign3A_214 = arith.constant 0 : i32
          %sign3A_215 = arith.cmpi slt, %scan3A_71, %sign3A_214 : i32
          %sign3A_216 = arith.extui %sign3A_215 : i1 to i32
          %sign3A_217 = arith.subi %sign3A_213, %sign3A_216 : i32
          %sign3A_218 = arith.constant 0 : i32
          %sign3A_219 = arith.cmpi sgt, %jit3A_209, %sign3A_218 : i32
          %sign3A_220 = arith.extui %sign3A_219 : i1 to i32
          %sign3A_221 = arith.constant 0 : i32
          %sign3A_222 = arith.cmpi slt, %jit3A_209, %sign3A_221 : i32
          %sign3A_223 = arith.extui %sign3A_222 : i1 to i32
          %sign3A_224 = arith.subi %sign3A_220, %sign3A_223 : i32
          %ne3A_225 = arith.cmpi ne, %sign3A_217, %sign3A_224 : i32
          %rem3A_226 = arith.remsi %scan3A_71, %jit3A_209 : i32
          %ne3A_227 = arith.constant 0 : i32
          %ne3A_228 = arith.cmpi ne, %rem3A_226, %ne3A_227 : i32
          %and3A_229 = arith.andi %ne3A_225, %ne3A_228 : i1
          %sub3A_230 = arith.constant 1 : i32
          %sub3A_231 = arith.subi %div3A_210, %sub3A_230 : i32
          %select_n3A_232 = arith.select %and3A_229, %sub3A_231, %div3A_210 : i32
          %mul3A_233 = arith.constant 16 : i32
          %mul3A_234 = arith.muli %select_n3A_232, %mul3A_233 : i32
          %swap3A = arith.index_cast %mul3A_234 : i32 to index
          %swap3A_235 = tpu.vector_load %arg13[%swap3A] {strides = array<i32>} : memref<1024xi32, #tpu.memory_space<vmem>>, vector<16xi32>,
          tpu.vector_store %arg13[%swap3A], %select_n3A_95 {strides = array<i32>} : memref<1024xi32, #tpu.memory_space<vmem>>, vector<16xi32>,
          %swap3A_236 = arith.index_cast %mul3A_234 : i32 to index
          %swap3A_237 = tpu.vector_load %arg14[%swap3A_236] {strides = array<i32>} : memref<1024xf32, #tpu.memory_space<vmem>>, vector<16xf32>,
          tpu.vector_store %arg14[%swap3A_236], %select_n3A_99 {strides = array<i32>} : memref<1024xf32, #tpu.memory_space<vmem>>, vector<16xf32>,
          %swap3A_238 = arith.index_cast %mul3A_234 : i32 to index
          %swap3A_239 = tpu.vector_load %arg15[%swap3A_238] {strides = array<i32>} : memref<1024xf32, #tpu.memory_space<vmem>>, vector<16xf32>,
          tpu.vector_store %arg15[%swap3A_238], %select_n3A_103 {strides = array<i32>} : memref<1024xf32, #tpu.memory_space<vmem>>, vector<16xf32>,
          %swap3A_240 = arith.index_cast %mul3A_234 : i32 to index
          %swap3A_241 = tpu.vector_load %arg16[%swap3A_240] {strides = array<i32>} : memref<1024xf32, #tpu.memory_space<vmem>>, vector<16xf32>,
          tpu.vector_store %arg16[%swap3A_240], %select_n3A_107 {strides = array<i32>} : memref<1024xf32, #tpu.memory_space<vmem>>, vector<16xf32>,
        } else {
        }
        %broadcast_in_dim3A_113 = arith.constant -1.000000e+00 : f32
        %broadcast_in_dim3A_114 = vector.broadcast %broadcast_in_dim3A_113 : f32 to vector<16xf32>
        %broadcast_in_dim3A_115 = arith.constant 0 : i32
        %broadcast_in_dim3A_116 = vector.broadcast %broadcast_in_dim3A_115 : i32 to vector<16xi32>
        %scan3A_117 = arith.constant 0 : i32
        %scan3A_118 = arith.constant 64 : i32
        %scan3A_119 = arith.addi %scan3A_117, %scan3A_118 : i32
        %scan3A_120 = arith.constant 1 : i32
        %scan3A_121:2 = scf.for %scan3A_209 = %scan3A_117 to %scan3A_119 step %scan3A_120 iter_args(%scan3A_210 = %broadcast_in_dim3A_114, %scan3A_211 = %broadcast_in_dim3A_116) -> (vector<16xf32>, vector<16xi32>)  : i32 {
          %mul3A_212 = arith.constant 256 : i32
          %mul3A_213 = arith.muli %scan3A_209, %mul3A_212 : i32
          %add3A_214 = arith.constant 0 : i32
          %add3A_215 = arith.addi %mul3A_213, %add3A_214 : i32
          %get3A_216 = arith.index_cast %add3A_215 : i32 to index
          %get3A_217 = tpu.vector_load %arg9[%get3A_216] {strides = array<i32>} : memref<16384xf32, #tpu.memory_space<vmem>>, vector<16xf32>,
          %get3A_218 = arith.index_cast %add3A_215 : i32 to index
          %get3A_219 = tpu.vector_load %arg10[%get3A_218] {strides = array<i32>} : memref<16384xf32, #tpu.memory_space<vmem>>, vector<16xf32>,
          %get3A_220 = arith.index_cast %add3A_215 : i32 to index
          %get3A_221 = tpu.vector_load %arg11[%get3A_220] {strides = array<i32>} : memref<16384xf32, #tpu.memory_space<vmem>>, vector<16xf32>,
          %sub3A_222 = vector.broadcast %scan3A_73 : f32 to vector<16xf32>
          %sub3A_223 = arith.subf %get3A_217, %sub3A_222 : vector<16xf32>
          %sub3A_224 = vector.broadcast %scan3A_74 : f32 to vector<16xf32>
          %sub3A_225 = arith.subf %get3A_219, %sub3A_224 : vector<16xf32>
          %sub3A_226 = vector.broadcast %scan3A_75 : f32 to vector<16xf32>
          %sub3A_227 = arith.subf %get3A_221, %sub3A_226 : vector<16xf32>
          %mul3A_228 = arith.mulf %sub3A_223, %sub3A_223 : vector<16xf32>
          %mul3A_229 = arith.mulf %sub3A_225, %sub3A_225 : vector<16xf32>
          %add3A_230 = arith.addf %mul3A_228, %mul3A_229 : vector<16xf32>
          %mul3A_231 = arith.mulf %sub3A_227, %sub3A_227 : vector<16xf32>
          %add3A_232 = arith.addf %add3A_230, %mul3A_231 : vector<16xf32>
          %get3A_233 = arith.index_cast %add3A_215 : i32 to index
          %get3A_234 = tpu.vector_load %arg12[%get3A_233] {strides = array<i32>} : memref<16384xf32, #tpu.memory_space<vmem>>, vector<16xf32>,
          %min3A = arith.minimumf %get3A_234, %add3A_232 : vector<16xf32>
          %gt3A = arith.cmpf ogt, %min3A, %scan3A_210 : vector<16xf32>
          %select_n3A_235 = arith.select %gt3A, %min3A, %scan3A_210 : vector<16xi1>, vector<16xf32>
          %add3A_236 = vector.broadcast %add3A_215 : i32 to vector<16xi32>
          %add3A_237 = arith.addi %add3A_236, %iota3A : vector<16xi32>
          %select_n3A_238 = arith.select %gt3A, %add3A_237, %scan3A_211 : vector<16xi1>, vector<16xi32>
          %add3A_239 = arith.constant 16 : i32
          %add3A_240 = arith.addi %mul3A_213, %add3A_239 : i32
          %get3A_241 = arith.index_cast %add3A_240 : i32 to index
          %get3A_242 = tpu.vector_load %arg9[%get3A_241] {strides = array<i32>} : memref<16384xf32, #tpu.memory_space<vmem>>, vector<16xf32>,
          %get3A_243 = arith.index_cast %add3A_240 : i32 to index
          %get3A_244 = tpu.vector_load %arg10[%get3A_243] {strides = array<i32>} : memref<16384xf32, #tpu.memory_space<vmem>>, vector<16xf32>,
          %get3A_245 = arith.index_cast %add3A_240 : i32 to index
          %get3A_246 = tpu.vector_load %arg11[%get3A_245] {strides = array<i32>} : memref<16384xf32, #tpu.memory_space<vmem>>, vector<16xf32>,
          %sub3A_247 = vector.broadcast %scan3A_73 : f32 to vector<16xf32>
          %sub3A_248 = arith.subf %get3A_242, %sub3A_247 : vector<16xf32>
          %sub3A_249 = vector.broadcast %scan3A_74 : f32 to vector<16xf32>
          %sub3A_250 = arith.subf %get3A_244, %sub3A_249 : vector<16xf32>
          %sub3A_251 = vector.broadcast %scan3A_75 : f32 to vector<16xf32>
          %sub3A_252 = arith.subf %get3A_246, %sub3A_251 : vector<16xf32>
          %mul3A_253 = arith.mulf %sub3A_248, %sub3A_248 : vector<16xf32>
          %mul3A_254 = arith.mulf %sub3A_250, %sub3A_250 : vector<16xf32>
          %add3A_255 = arith.addf %mul3A_253, %mul3A_254 : vector<16xf32>
          %mul3A_256 = arith.mulf %sub3A_252, %sub3A_252 : vector<16xf32>
          %add3A_257 = arith.addf %add3A_255, %mul3A_256 : vector<16xf32>
          %get3A_258 = arith.index_cast %add3A_240 : i32 to index
          %get3A_259 = tpu.vector_load %arg12[%get3A_258] {strides = array<i32>} : memref<16384xf32, #tpu.memory_space<vmem>>, vector<16xf32>,
          %min3A_260 = arith.minimumf %get3A_259, %add3A_257 : vector<16xf32>
          %gt3A_261 = arith.cmpf ogt, %min3A_260, %select_n3A_235 : vector<16xf32>
          %select_n3A_262 = arith.select %gt3A_261, %min3A_260, %select_n3A_235 : vector<16xi1>, vector<16xf32>
          %add3A_263 = vector.broadcast %add3A_240 : i32 to vector<16xi32>
          %add3A_264 = arith.addi %add3A_263, %iota3A : vector<16xi32>
          %select_n3A_265 = arith.select %gt3A_261, %add3A_264, %select_n3A_238 : vector<16xi1>, vector<16xi32>
          %add3A_266 = arith.constant 32 : i32
          %add3A_267 = arith.addi %mul3A_213, %add3A_266 : i32
          %get3A_268 = arith.index_cast %add3A_267 : i32 to index
          %get3A_269 = tpu.vector_load %arg9[%get3A_268] {strides = array<i32>} : memref<16384xf32, #tpu.memory_space<vmem>>, vector<16xf32>,
          %get3A_270 = arith.index_cast %add3A_267 : i32 to index
          %get3A_271 = tpu.vector_load %arg10[%get3A_270] {strides = array<i32>} : memref<16384xf32, #tpu.memory_space<vmem>>, vector<16xf32>,
          %get3A_272 = arith.index_cast %add3A_267 : i32 to index
          %get3A_273 = tpu.vector_load %arg11[%get3A_272] {strides = array<i32>} : memref<16384xf32, #tpu.memory_space<vmem>>, vector<16xf32>,
          %sub3A_274 = vector.broadcast %scan3A_73 : f32 to vector<16xf32>
          %sub3A_275 = arith.subf %get3A_269, %sub3A_274 : vector<16xf32>
          %sub3A_276 = vector.broadcast %scan3A_74 : f32 to vector<16xf32>
          %sub3A_277 = arith.subf %get3A_271, %sub3A_276 : vector<16xf32>
          %sub3A_278 = vector.broadcast %scan3A_75 : f32 to vector<16xf32>
          %sub3A_279 = arith.subf %get3A_273, %sub3A_278 : vector<16xf32>
          %mul3A_280 = arith.mulf %sub3A_275, %sub3A_275 : vector<16xf32>
          %mul3A_281 = arith.mulf %sub3A_277, %sub3A_277 : vector<16xf32>
          %add3A_282 = arith.addf %mul3A_280, %mul3A_281 : vector<16xf32>
          %mul3A_283 = arith.mulf %sub3A_279, %sub3A_279 : vector<16xf32>
          %add3A_284 = arith.addf %add3A_282, %mul3A_283 : vector<16xf32>
          %get3A_285 = arith.index_cast %add3A_267 : i32 to index
          %get3A_286 = tpu.vector_load %arg12[%get3A_285] {strides = array<i32>} : memref<16384xf32, #tpu.memory_space<vmem>>, vector<16xf32>,
          %min3A_287 = arith.minimumf %get3A_286, %add3A_284 : vector<16xf32>
          %gt3A_288 = arith.cmpf ogt, %min3A_287, %select_n3A_262 : vector<16xf32>
          %select_n3A_289 = arith.select %gt3A_288, %min3A_287, %select_n3A_262 : vector<16xi1>, vector<16xf32>
          %add3A_290 = vector.broadcast %add3A_267 : i32 to vector<16xi32>
          %add3A_291 = arith.addi %add3A_290, %iota3A : vector<16xi32>
          %select_n3A_292 = arith.select %gt3A_288, %add3A_291, %select_n3A_265 : vector<16xi1>, vector<16xi32>
          %add3A_293 = arith.constant 48 : i32
          %add3A_294 = arith.addi %mul3A_213, %add3A_293 : i32
          %get3A_295 = arith.index_cast %add3A_294 : i32 to index
          %get3A_296 = tpu.vector_load %arg9[%get3A_295] {strides = array<i32>} : memref<16384xf32, #tpu.memory_space<vmem>>, vector<16xf32>,
          %get3A_297 = arith.index_cast %add3A_294 : i32 to index
          %get3A_298 = tpu.vector_load %arg10[%get3A_297] {strides = array<i32>} : memref<16384xf32, #tpu.memory_space<vmem>>, vector<16xf32>,
          %get3A_299 = arith.index_cast %add3A_294 : i32 to index
          %get3A_300 = tpu.vector_load %arg11[%get3A_299] {strides = array<i32>} : memref<16384xf32, #tpu.memory_space<vmem>>, vector<16xf32>,
          %sub3A_301 = vector.broadcast %scan3A_73 : f32 to vector<16xf32>
          %sub3A_302 = arith.subf %get3A_296, %sub3A_301 : vector<16xf32>
          %sub3A_303 = vector.broadcast %scan3A_74 : f32 to vector<16xf32>
          %sub3A_304 = arith.subf %get3A_298, %sub3A_303 : vector<16xf32>
          %sub3A_305 = vector.broadcast %scan3A_75 : f32 to vector<16xf32>
          %sub3A_306 = arith.subf %get3A_300, %sub3A_305 : vector<16xf32>
          %mul3A_307 = arith.mulf %sub3A_302, %sub3A_302 : vector<16xf32>
          %mul3A_308 = arith.mulf %sub3A_304, %sub3A_304 : vector<16xf32>
          %add3A_309 = arith.addf %mul3A_307, %mul3A_308 : vector<16xf32>
          %mul3A_310 = arith.mulf %sub3A_306, %sub3A_306 : vector<16xf32>
          %add3A_311 = arith.addf %add3A_309, %mul3A_310 : vector<16xf32>
          %get3A_312 = arith.index_cast %add3A_294 : i32 to index
          %get3A_313 = tpu.vector_load %arg12[%get3A_312] {strides = array<i32>} : memref<16384xf32, #tpu.memory_space<vmem>>, vector<16xf32>,
          %min3A_314 = arith.minimumf %get3A_313, %add3A_311 : vector<16xf32>
          %gt3A_315 = arith.cmpf ogt, %min3A_314, %select_n3A_289 : vector<16xf32>
          %select_n3A_316 = arith.select %gt3A_315, %min3A_314, %select_n3A_289 : vector<16xi1>, vector<16xf32>
          %add3A_317 = vector.broadcast %add3A_294 : i32 to vector<16xi32>
          %add3A_318 = arith.addi %add3A_317, %iota3A : vector<16xi32>
          %select_n3A_319 = arith.select %gt3A_315, %add3A_318, %select_n3A_292 : vector<16xi1>, vector<16xi32>
          %add3A_320 = arith.constant 64 : i32
          %add3A_321 = arith.addi %mul3A_213, %add3A_320 : i32
          %get3A_322 = arith.index_cast %add3A_321 : i32 to index
          %get3A_323 = tpu.vector_load %arg9[%get3A_322] {strides = array<i32>} : memref<16384xf32, #tpu.memory_space<vmem>>, vector<16xf32>,
          %get3A_324 = arith.index_cast %add3A_321 : i32 to index
          %get3A_325 = tpu.vector_load %arg10[%get3A_324] {strides = array<i32>} : memref<16384xf32, #tpu.memory_space<vmem>>, vector<16xf32>,
          %get3A_326 = arith.index_cast %add3A_321 : i32 to index
          %get3A_327 = tpu.vector_load %arg11[%get3A_326] {strides = array<i32>} : memref<16384xf32, #tpu.memory_space<vmem>>, vector<16xf32>,
          %sub3A_328 = vector.broadcast %scan3A_73 : f32 to vector<16xf32>
          %sub3A_329 = arith.subf %get3A_323, %sub3A_328 : vector<16xf32>
          %sub3A_330 = vector.broadcast %scan3A_74 : f32 to vector<16xf32>
          %sub3A_331 = arith.subf %get3A_325, %sub3A_330 : vector<16xf32>
          %sub3A_332 = vector.broadcast %scan3A_75 : f32 to vector<16xf32>
          %sub3A_333 = arith.subf %get3A_327, %sub3A_332 : vector<16xf32>
          %mul3A_334 = arith.mulf %sub3A_329, %sub3A_329 : vector<16xf32>
          %mul3A_335 = arith.mulf %sub3A_331, %sub3A_331 : vector<16xf32>
          %add3A_336 = arith.addf %mul3A_334, %mul3A_335 : vector<16xf32>
          %mul3A_337 = arith.mulf %sub3A_333, %sub3A_333 : vector<16xf32>
          %add3A_338 = arith.addf %add3A_336, %mul3A_337 : vector<16xf32>
          %get3A_339 = arith.index_cast %add3A_321 : i32 to index
          %get3A_340 = tpu.vector_load %arg12[%get3A_339] {strides = array<i32>} : memref<16384xf32, #tpu.memory_space<vmem>>, vector<16xf32>,
          %min3A_341 = arith.minimumf %get3A_340, %add3A_338 : vector<16xf32>
          %gt3A_342 = arith.cmpf ogt, %min3A_341, %select_n3A_316 : vector<16xf32>
          %select_n3A_343 = arith.select %gt3A_342, %min3A_341, %select_n3A_316 : vector<16xi1>, vector<16xf32>
          %add3A_344 = vector.broadcast %add3A_321 : i32 to vector<16xi32>
          %add3A_345 = arith.addi %add3A_344, %iota3A : vector<16xi32>
          %select_n3A_346 = arith.select %gt3A_342, %add3A_345, %select_n3A_319 : vector<16xi1>, vector<16xi32>
          %add3A_347 = arith.constant 80 : i32
          %add3A_348 = arith.addi %mul3A_213, %add3A_347 : i32
          %get3A_349 = arith.index_cast %add3A_348 : i32 to index
          %get3A_350 = tpu.vector_load %arg9[%get3A_349] {strides = array<i32>} : memref<16384xf32, #tpu.memory_space<vmem>>, vector<16xf32>,
          %get3A_351 = arith.index_cast %add3A_348 : i32 to index
          %get3A_352 = tpu.vector_load %arg10[%get3A_351] {strides = array<i32>} : memref<16384xf32, #tpu.memory_space<vmem>>, vector<16xf32>,
          %get3A_353 = arith.index_cast %add3A_348 : i32 to index
          %get3A_354 = tpu.vector_load %arg11[%get3A_353] {strides = array<i32>} : memref<16384xf32, #tpu.memory_space<vmem>>, vector<16xf32>,
          %sub3A_355 = vector.broadcast %scan3A_73 : f32 to vector<16xf32>
          %sub3A_356 = arith.subf %get3A_350, %sub3A_355 : vector<16xf32>
          %sub3A_357 = vector.broadcast %scan3A_74 : f32 to vector<16xf32>
          %sub3A_358 = arith.subf %get3A_352, %sub3A_357 : vector<16xf32>
          %sub3A_359 = vector.broadcast %scan3A_75 : f32 to vector<16xf32>
          %sub3A_360 = arith.subf %get3A_354, %sub3A_359 : vector<16xf32>
          %mul3A_361 = arith.mulf %sub3A_356, %sub3A_356 : vector<16xf32>
          %mul3A_362 = arith.mulf %sub3A_358, %sub3A_358 : vector<16xf32>
          %add3A_363 = arith.addf %mul3A_361, %mul3A_362 : vector<16xf32>
          %mul3A_364 = arith.mulf %sub3A_360, %sub3A_360 : vector<16xf32>
          %add3A_365 = arith.addf %add3A_363, %mul3A_364 : vector<16xf32>
          %get3A_366 = arith.index_cast %add3A_348 : i32 to index
          %get3A_367 = tpu.vector_load %arg12[%get3A_366] {strides = array<i32>} : memref<16384xf32, #tpu.memory_space<vmem>>, vector<16xf32>,
          %min3A_368 = arith.minimumf %get3A_367, %add3A_365 : vector<16xf32>
          %gt3A_369 = arith.cmpf ogt, %min3A_368, %select_n3A_343 : vector<16xf32>
          %select_n3A_370 = arith.select %gt3A_369, %min3A_368, %select_n3A_343 : vector<16xi1>, vector<16xf32>
          %add3A_371 = vector.broadcast %add3A_348 : i32 to vector<16xi32>
          %add3A_372 = arith.addi %add3A_371, %iota3A : vector<16xi32>
          %select_n3A_373 = arith.select %gt3A_369, %add3A_372, %select_n3A_346 : vector<16xi1>, vector<16xi32>
          %add3A_374 = arith.constant 96 : i32
          %add3A_375 = arith.addi %mul3A_213, %add3A_374 : i32
          %get3A_376 = arith.index_cast %add3A_375 : i32 to index
          %get3A_377 = tpu.vector_load %arg9[%get3A_376] {strides = array<i32>} : memref<16384xf32, #tpu.memory_space<vmem>>, vector<16xf32>,
          %get3A_378 = arith.index_cast %add3A_375 : i32 to index
          %get3A_379 = tpu.vector_load %arg10[%get3A_378] {strides = array<i32>} : memref<16384xf32, #tpu.memory_space<vmem>>, vector<16xf32>,
          %get3A_380 = arith.index_cast %add3A_375 : i32 to index
          %get3A_381 = tpu.vector_load %arg11[%get3A_380] {strides = array<i32>} : memref<16384xf32, #tpu.memory_space<vmem>>, vector<16xf32>,
          %sub3A_382 = vector.broadcast %scan3A_73 : f32 to vector<16xf32>
          %sub3A_383 = arith.subf %get3A_377, %sub3A_382 : vector<16xf32>
          %sub3A_384 = vector.broadcast %scan3A_74 : f32 to vector<16xf32>
          %sub3A_385 = arith.subf %get3A_379, %sub3A_384 : vector<16xf32>
          %sub3A_386 = vector.broadcast %scan3A_75 : f32 to vector<16xf32>
          %sub3A_387 = arith.subf %get3A_381, %sub3A_386 : vector<16xf32>
          %mul3A_388 = arith.mulf %sub3A_383, %sub3A_383 : vector<16xf32>
          %mul3A_389 = arith.mulf %sub3A_385, %sub3A_385 : vector<16xf32>
          %add3A_390 = arith.addf %mul3A_388, %mul3A_389 : vector<16xf32>
          %mul3A_391 = arith.mulf %sub3A_387, %sub3A_387 : vector<16xf32>
          %add3A_392 = arith.addf %add3A_390, %mul3A_391 : vector<16xf32>
          %get3A_393 = arith.index_cast %add3A_375 : i32 to index
          %get3A_394 = tpu.vector_load %arg12[%get3A_393] {strides = array<i32>} : memref<16384xf32, #tpu.memory_space<vmem>>, vector<16xf32>,
          %min3A_395 = arith.minimumf %get3A_394, %add3A_392 : vector<16xf32>
          %gt3A_396 = arith.cmpf ogt, %min3A_395, %select_n3A_370 : vector<16xf32>
          %select_n3A_397 = arith.select %gt3A_396, %min3A_395, %select_n3A_370 : vector<16xi1>, vector<16xf32>
          %add3A_398 = vector.broadcast %add3A_375 : i32 to vector<16xi32>
          %add3A_399 = arith.addi %add3A_398, %iota3A : vector<16xi32>
          %select_n3A_400 = arith.select %gt3A_396, %add3A_399, %select_n3A_373 : vector<16xi1>, vector<16xi32>
          %add3A_401 = arith.constant 112 : i32
          %add3A_402 = arith.addi %mul3A_213, %add3A_401 : i32
          %get3A_403 = arith.index_cast %add3A_402 : i32 to index
          %get3A_404 = tpu.vector_load %arg9[%get3A_403] {strides = array<i32>} : memref<16384xf32, #tpu.memory_space<vmem>>, vector<16xf32>,
          %get3A_405 = arith.index_cast %add3A_402 : i32 to index
          %get3A_406 = tpu.vector_load %arg10[%get3A_405] {strides = array<i32>} : memref<16384xf32, #tpu.memory_space<vmem>>, vector<16xf32>,
          %get3A_407 = arith.index_cast %add3A_402 : i32 to index
          %get3A_408 = tpu.vector_load %arg11[%get3A_407] {strides = array<i32>} : memref<16384xf32, #tpu.memory_space<vmem>>, vector<16xf32>,
          %sub3A_409 = vector.broadcast %scan3A_73 : f32 to vector<16xf32>
          %sub3A_410 = arith.subf %get3A_404, %sub3A_409 : vector<16xf32>
          %sub3A_411 = vector.broadcast %scan3A_74 : f32 to vector<16xf32>
          %sub3A_412 = arith.subf %get3A_406, %sub3A_411 : vector<16xf32>
          %sub3A_413 = vector.broadcast %scan3A_75 : f32 to vector<16xf32>
          %sub3A_414 = arith.subf %get3A_408, %sub3A_413 : vector<16xf32>
          %mul3A_415 = arith.mulf %sub3A_410, %sub3A_410 : vector<16xf32>
          %mul3A_416 = arith.mulf %sub3A_412, %sub3A_412 : vector<16xf32>
          %add3A_417 = arith.addf %mul3A_415, %mul3A_416 : vector<16xf32>
          %mul3A_418 = arith.mulf %sub3A_414, %sub3A_414 : vector<16xf32>
          %add3A_419 = arith.addf %add3A_417, %mul3A_418 : vector<16xf32>
          %get3A_420 = arith.index_cast %add3A_402 : i32 to index
          %get3A_421 = tpu.vector_load %arg12[%get3A_420] {strides = array<i32>} : memref<16384xf32, #tpu.memory_space<vmem>>, vector<16xf32>,
          %min3A_422 = arith.minimumf %get3A_421, %add3A_419 : vector<16xf32>
          %gt3A_423 = arith.cmpf ogt, %min3A_422, %select_n3A_397 : vector<16xf32>
          %select_n3A_424 = arith.select %gt3A_423, %min3A_422, %select_n3A_397 : vector<16xi1>, vector<16xf32>
          %add3A_425 = vector.broadcast %add3A_402 : i32 to vector<16xi32>
          %add3A_426 = arith.addi %add3A_425, %iota3A : vector<16xi32>
          %select_n3A_427 = arith.select %gt3A_423, %add3A_426, %select_n3A_400 : vector<16xi1>, vector<16xi32>
          %add3A_428 = arith.constant 128 : i32
          %add3A_429 = arith.addi %mul3A_213, %add3A_428 : i32
          %get3A_430 = arith.index_cast %add3A_429 : i32 to index
          %get3A_431 = tpu.vector_load %arg9[%get3A_430] {strides = array<i32>} : memref<16384xf32, #tpu.memory_space<vmem>>, vector<16xf32>,
          %get3A_432 = arith.index_cast %add3A_429 : i32 to index
          %get3A_433 = tpu.vector_load %arg10[%get3A_432] {strides = array<i32>} : memref<16384xf32, #tpu.memory_space<vmem>>, vector<16xf32>,
          %get3A_434 = arith.index_cast %add3A_429 : i32 to index
          %get3A_435 = tpu.vector_load %arg11[%get3A_434] {strides = array<i32>} : memref<16384xf32, #tpu.memory_space<vmem>>, vector<16xf32>,
          %sub3A_436 = vector.broadcast %scan3A_73 : f32 to vector<16xf32>
          %sub3A_437 = arith.subf %get3A_431, %sub3A_436 : vector<16xf32>
          %sub3A_438 = vector.broadcast %scan3A_74 : f32 to vector<16xf32>
          %sub3A_439 = arith.subf %get3A_433, %sub3A_438 : vector<16xf32>
          %sub3A_440 = vector.broadcast %scan3A_75 : f32 to vector<16xf32>
          %sub3A_441 = arith.subf %get3A_435, %sub3A_440 : vector<16xf32>
          %mul3A_442 = arith.mulf %sub3A_437, %sub3A_437 : vector<16xf32>
          %mul3A_443 = arith.mulf %sub3A_439, %sub3A_439 : vector<16xf32>
          %add3A_444 = arith.addf %mul3A_442, %mul3A_443 : vector<16xf32>
          %mul3A_445 = arith.mulf %sub3A_441, %sub3A_441 : vector<16xf32>
          %add3A_446 = arith.addf %add3A_444, %mul3A_445 : vector<16xf32>
          %get3A_447 = arith.index_cast %add3A_429 : i32 to index
          %get3A_448 = tpu.vector_load %arg12[%get3A_447] {strides = array<i32>} : memref<16384xf32, #tpu.memory_space<vmem>>, vector<16xf32>,
          %min3A_449 = arith.minimumf %get3A_448, %add3A_446 : vector<16xf32>
          %gt3A_450 = arith.cmpf ogt, %min3A_449, %select_n3A_424 : vector<16xf32>
          %select_n3A_451 = arith.select %gt3A_450, %min3A_449, %select_n3A_424 : vector<16xi1>, vector<16xf32>
          %add3A_452 = vector.broadcast %add3A_429 : i32 to vector<16xi32>
          %add3A_453 = arith.addi %add3A_452, %iota3A : vector<16xi32>
          %select_n3A_454 = arith.select %gt3A_450, %add3A_453, %select_n3A_427 : vector<16xi1>, vector<16xi32>
          %add3A_455 = arith.constant 144 : i32
          %add3A_456 = arith.addi %mul3A_213, %add3A_455 : i32
          %get3A_457 = arith.index_cast %add3A_456 : i32 to index
          %get3A_458 = tpu.vector_load %arg9[%get3A_457] {strides = array<i32>} : memref<16384xf32, #tpu.memory_space<vmem>>, vector<16xf32>,
          %get3A_459 = arith.index_cast %add3A_456 : i32 to index
          %get3A_460 = tpu.vector_load %arg10[%get3A_459] {strides = array<i32>} : memref<16384xf32, #tpu.memory_space<vmem>>, vector<16xf32>,
          %get3A_461 = arith.index_cast %add3A_456 : i32 to index
          %get3A_462 = tpu.vector_load %arg11[%get3A_461] {strides = array<i32>} : memref<16384xf32, #tpu.memory_space<vmem>>, vector<16xf32>,
          %sub3A_463 = vector.broadcast %scan3A_73 : f32 to vector<16xf32>
          %sub3A_464 = arith.subf %get3A_458, %sub3A_463 : vector<16xf32>
          %sub3A_465 = vector.broadcast %scan3A_74 : f32 to vector<16xf32>
          %sub3A_466 = arith.subf %get3A_460, %sub3A_465 : vector<16xf32>
          %sub3A_467 = vector.broadcast %scan3A_75 : f32 to vector<16xf32>
          %sub3A_468 = arith.subf %get3A_462, %sub3A_467 : vector<16xf32>
          %mul3A_469 = arith.mulf %sub3A_464, %sub3A_464 : vector<16xf32>
          %mul3A_470 = arith.mulf %sub3A_466, %sub3A_466 : vector<16xf32>
          %add3A_471 = arith.addf %mul3A_469, %mul3A_470 : vector<16xf32>
          %mul3A_472 = arith.mulf %sub3A_468, %sub3A_468 : vector<16xf32>
          %add3A_473 = arith.addf %add3A_471, %mul3A_472 : vector<16xf32>
          %get3A_474 = arith.index_cast %add3A_456 : i32 to index
          %get3A_475 = tpu.vector_load %arg12[%get3A_474] {strides = array<i32>} : memref<16384xf32, #tpu.memory_space<vmem>>, vector<16xf32>,
          %min3A_476 = arith.minimumf %get3A_475, %add3A_473 : vector<16xf32>
          %gt3A_477 = arith.cmpf ogt, %min3A_476, %select_n3A_451 : vector<16xf32>
          %select_n3A_478 = arith.select %gt3A_477, %min3A_476, %select_n3A_451 : vector<16xi1>, vector<16xf32>
          %add3A_479 = vector.broadcast %add3A_456 : i32 to vector<16xi32>
          %add3A_480 = arith.addi %add3A_479, %iota3A : vector<16xi32>
          %select_n3A_481 = arith.select %gt3A_477, %add3A_480, %select_n3A_454 : vector<16xi1>, vector<16xi32>
          %add3A_482 = arith.constant 160 : i32
          %add3A_483 = arith.addi %mul3A_213, %add3A_482 : i32
          %get3A_484 = arith.index_cast %add3A_483 : i32 to index
          %get3A_485 = tpu.vector_load %arg9[%get3A_484] {strides = array<i32>} : memref<16384xf32, #tpu.memory_space<vmem>>, vector<16xf32>,
          %get3A_486 = arith.index_cast %add3A_483 : i32 to index
          %get3A_487 = tpu.vector_load %arg10[%get3A_486] {strides = array<i32>} : memref<16384xf32, #tpu.memory_space<vmem>>, vector<16xf32>,
          %get3A_488 = arith.index_cast %add3A_483 : i32 to index
          %get3A_489 = tpu.vector_load %arg11[%get3A_488] {strides = array<i32>} : memref<16384xf32, #tpu.memory_space<vmem>>, vector<16xf32>,
          %sub3A_490 = vector.broadcast %scan3A_73 : f32 to vector<16xf32>
          %sub3A_491 = arith.subf %get3A_485, %sub3A_490 : vector<16xf32>
          %sub3A_492 = vector.broadcast %scan3A_74 : f32 to vector<16xf32>
          %sub3A_493 = arith.subf %get3A_487, %sub3A_492 : vector<16xf32>
          %sub3A_494 = vector.broadcast %scan3A_75 : f32 to vector<16xf32>
          %sub3A_495 = arith.subf %get3A_489, %sub3A_494 : vector<16xf32>
          %mul3A_496 = arith.mulf %sub3A_491, %sub3A_491 : vector<16xf32>
          %mul3A_497 = arith.mulf %sub3A_493, %sub3A_493 : vector<16xf32>
          %add3A_498 = arith.addf %mul3A_496, %mul3A_497 : vector<16xf32>
          %mul3A_499 = arith.mulf %sub3A_495, %sub3A_495 : vector<16xf32>
          %add3A_500 = arith.addf %add3A_498, %mul3A_499 : vector<16xf32>
          %get3A_501 = arith.index_cast %add3A_483 : i32 to index
          %get3A_502 = tpu.vector_load %arg12[%get3A_501] {strides = array<i32>} : memref<16384xf32, #tpu.memory_space<vmem>>, vector<16xf32>,
          %min3A_503 = arith.minimumf %get3A_502, %add3A_500 : vector<16xf32>
          %gt3A_504 = arith.cmpf ogt, %min3A_503, %select_n3A_478 : vector<16xf32>
          %select_n3A_505 = arith.select %gt3A_504, %min3A_503, %select_n3A_478 : vector<16xi1>, vector<16xf32>
          %add3A_506 = vector.broadcast %add3A_483 : i32 to vector<16xi32>
          %add3A_507 = arith.addi %add3A_506, %iota3A : vector<16xi32>
          %select_n3A_508 = arith.select %gt3A_504, %add3A_507, %select_n3A_481 : vector<16xi1>, vector<16xi32>
          %add3A_509 = arith.constant 176 : i32
          %add3A_510 = arith.addi %mul3A_213, %add3A_509 : i32
          %get3A_511 = arith.index_cast %add3A_510 : i32 to index
          %get3A_512 = tpu.vector_load %arg9[%get3A_511] {strides = array<i32>} : memref<16384xf32, #tpu.memory_space<vmem>>, vector<16xf32>,
          %get3A_513 = arith.index_cast %add3A_510 : i32 to index
          %get3A_514 = tpu.vector_load %arg10[%get3A_513] {strides = array<i32>} : memref<16384xf32, #tpu.memory_space<vmem>>, vector<16xf32>,
          %get3A_515 = arith.index_cast %add3A_510 : i32 to index
          %get3A_516 = tpu.vector_load %arg11[%get3A_515] {strides = array<i32>} : memref<16384xf32, #tpu.memory_space<vmem>>, vector<16xf32>,
          %sub3A_517 = vector.broadcast %scan3A_73 : f32 to vector<16xf32>
          %sub3A_518 = arith.subf %get3A_512, %sub3A_517 : vector<16xf32>
          %sub3A_519 = vector.broadcast %scan3A_74 : f32 to vector<16xf32>
          %sub3A_520 = arith.subf %get3A_514, %sub3A_519 : vector<16xf32>
          %sub3A_521 = vector.broadcast %scan3A_75 : f32 to vector<16xf32>
          %sub3A_522 = arith.subf %get3A_516, %sub3A_521 : vector<16xf32>
          %mul3A_523 = arith.mulf %sub3A_518, %sub3A_518 : vector<16xf32>
          %mul3A_524 = arith.mulf %sub3A_520, %sub3A_520 : vector<16xf32>
          %add3A_525 = arith.addf %mul3A_523, %mul3A_524 : vector<16xf32>
          %mul3A_526 = arith.mulf %sub3A_522, %sub3A_522 : vector<16xf32>
          %add3A_527 = arith.addf %add3A_525, %mul3A_526 : vector<16xf32>
          %get3A_528 = arith.index_cast %add3A_510 : i32 to index
          %get3A_529 = tpu.vector_load %arg12[%get3A_528] {strides = array<i32>} : memref<16384xf32, #tpu.memory_space<vmem>>, vector<16xf32>,
          %min3A_530 = arith.minimumf %get3A_529, %add3A_527 : vector<16xf32>
          %gt3A_531 = arith.cmpf ogt, %min3A_530, %select_n3A_505 : vector<16xf32>
          %select_n3A_532 = arith.select %gt3A_531, %min3A_530, %select_n3A_505 : vector<16xi1>, vector<16xf32>
          %add3A_533 = vector.broadcast %add3A_510 : i32 to vector<16xi32>
          %add3A_534 = arith.addi %add3A_533, %iota3A : vector<16xi32>
          %select_n3A_535 = arith.select %gt3A_531, %add3A_534, %select_n3A_508 : vector<16xi1>, vector<16xi32>
          %add3A_536 = arith.constant 192 : i32
          %add3A_537 = arith.addi %mul3A_213, %add3A_536 : i32
          %get3A_538 = arith.index_cast %add3A_537 : i32 to index
          %get3A_539 = tpu.vector_load %arg9[%get3A_538] {strides = array<i32>} : memref<16384xf32, #tpu.memory_space<vmem>>, vector<16xf32>,
          %get3A_540 = arith.index_cast %add3A_537 : i32 to index
          %get3A_541 = tpu.vector_load %arg10[%get3A_540] {strides = array<i32>} : memref<16384xf32, #tpu.memory_space<vmem>>, vector<16xf32>,
          %get3A_542 = arith.index_cast %add3A_537 : i32 to index
          %get3A_543 = tpu.vector_load %arg11[%get3A_542] {strides = array<i32>} : memref<16384xf32, #tpu.memory_space<vmem>>, vector<16xf32>,
          %sub3A_544 = vector.broadcast %scan3A_73 : f32 to vector<16xf32>
          %sub3A_545 = arith.subf %get3A_539, %sub3A_544 : vector<16xf32>
          %sub3A_546 = vector.broadcast %scan3A_74 : f32 to vector<16xf32>
          %sub3A_547 = arith.subf %get3A_541, %sub3A_546 : vector<16xf32>
          %sub3A_548 = vector.broadcast %scan3A_75 : f32 to vector<16xf32>
          %sub3A_549 = arith.subf %get3A_543, %sub3A_548 : vector<16xf32>
          %mul3A_550 = arith.mulf %sub3A_545, %sub3A_545 : vector<16xf32>
          %mul3A_551 = arith.mulf %sub3A_547, %sub3A_547 : vector<16xf32>
          %add3A_552 = arith.addf %mul3A_550, %mul3A_551 : vector<16xf32>
          %mul3A_553 = arith.mulf %sub3A_549, %sub3A_549 : vector<16xf32>
          %add3A_554 = arith.addf %add3A_552, %mul3A_553 : vector<16xf32>
          %get3A_555 = arith.index_cast %add3A_537 : i32 to index
          %get3A_556 = tpu.vector_load %arg12[%get3A_555] {strides = array<i32>} : memref<16384xf32, #tpu.memory_space<vmem>>, vector<16xf32>,
          %min3A_557 = arith.minimumf %get3A_556, %add3A_554 : vector<16xf32>
          %gt3A_558 = arith.cmpf ogt, %min3A_557, %select_n3A_532 : vector<16xf32>
          %select_n3A_559 = arith.select %gt3A_558, %min3A_557, %select_n3A_532 : vector<16xi1>, vector<16xf32>
          %add3A_560 = vector.broadcast %add3A_537 : i32 to vector<16xi32>
          %add3A_561 = arith.addi %add3A_560, %iota3A : vector<16xi32>
          %select_n3A_562 = arith.select %gt3A_558, %add3A_561, %select_n3A_535 : vector<16xi1>, vector<16xi32>
          %add3A_563 = arith.constant 208 : i32
          %add3A_564 = arith.addi %mul3A_213, %add3A_563 : i32
          %get3A_565 = arith.index_cast %add3A_564 : i32 to index
          %get3A_566 = tpu.vector_load %arg9[%get3A_565] {strides = array<i32>} : memref<16384xf32, #tpu.memory_space<vmem>>, vector<16xf32>,
          %get3A_567 = arith.index_cast %add3A_564 : i32 to index
          %get3A_568 = tpu.vector_load %arg10[%get3A_567] {strides = array<i32>} : memref<16384xf32, #tpu.memory_space<vmem>>, vector<16xf32>,
          %get3A_569 = arith.index_cast %add3A_564 : i32 to index
          %get3A_570 = tpu.vector_load %arg11[%get3A_569] {strides = array<i32>} : memref<16384xf32, #tpu.memory_space<vmem>>, vector<16xf32>,
          %sub3A_571 = vector.broadcast %scan3A_73 : f32 to vector<16xf32>
          %sub3A_572 = arith.subf %get3A_566, %sub3A_571 : vector<16xf32>
          %sub3A_573 = vector.broadcast %scan3A_74 : f32 to vector<16xf32>
          %sub3A_574 = arith.subf %get3A_568, %sub3A_573 : vector<16xf32>
          %sub3A_575 = vector.broadcast %scan3A_75 : f32 to vector<16xf32>
          %sub3A_576 = arith.subf %get3A_570, %sub3A_575 : vector<16xf32>
          %mul3A_577 = arith.mulf %sub3A_572, %sub3A_572 : vector<16xf32>
          %mul3A_578 = arith.mulf %sub3A_574, %sub3A_574 : vector<16xf32>
          %add3A_579 = arith.addf %mul3A_577, %mul3A_578 : vector<16xf32>
          %mul3A_580 = arith.mulf %sub3A_576, %sub3A_576 : vector<16xf32>
          %add3A_581 = arith.addf %add3A_579, %mul3A_580 : vector<16xf32>
          %get3A_582 = arith.index_cast %add3A_564 : i32 to index
          %get3A_583 = tpu.vector_load %arg12[%get3A_582] {strides = array<i32>} : memref<16384xf32, #tpu.memory_space<vmem>>, vector<16xf32>,
          %min3A_584 = arith.minimumf %get3A_583, %add3A_581 : vector<16xf32>
          %gt3A_585 = arith.cmpf ogt, %min3A_584, %select_n3A_559 : vector<16xf32>
          %select_n3A_586 = arith.select %gt3A_585, %min3A_584, %select_n3A_559 : vector<16xi1>, vector<16xf32>
          %add3A_587 = vector.broadcast %add3A_564 : i32 to vector<16xi32>
          %add3A_588 = arith.addi %add3A_587, %iota3A : vector<16xi32>
          %select_n3A_589 = arith.select %gt3A_585, %add3A_588, %select_n3A_562 : vector<16xi1>, vector<16xi32>
          %add3A_590 = arith.constant 224 : i32
          %add3A_591 = arith.addi %mul3A_213, %add3A_590 : i32
          %get3A_592 = arith.index_cast %add3A_591 : i32 to index
          %get3A_593 = tpu.vector_load %arg9[%get3A_592] {strides = array<i32>} : memref<16384xf32, #tpu.memory_space<vmem>>, vector<16xf32>,
          %get3A_594 = arith.index_cast %add3A_591 : i32 to index
          %get3A_595 = tpu.vector_load %arg10[%get3A_594] {strides = array<i32>} : memref<16384xf32, #tpu.memory_space<vmem>>, vector<16xf32>,
          %get3A_596 = arith.index_cast %add3A_591 : i32 to index
          %get3A_597 = tpu.vector_load %arg11[%get3A_596] {strides = array<i32>} : memref<16384xf32, #tpu.memory_space<vmem>>, vector<16xf32>,
          %sub3A_598 = vector.broadcast %scan3A_73 : f32 to vector<16xf32>
          %sub3A_599 = arith.subf %get3A_593, %sub3A_598 : vector<16xf32>
          %sub3A_600 = vector.broadcast %scan3A_74 : f32 to vector<16xf32>
          %sub3A_601 = arith.subf %get3A_595, %sub3A_600 : vector<16xf32>
          %sub3A_602 = vector.broadcast %scan3A_75 : f32 to vector<16xf32>
          %sub3A_603 = arith.subf %get3A_597, %sub3A_602 : vector<16xf32>
          %mul3A_604 = arith.mulf %sub3A_599, %sub3A_599 : vector<16xf32>
          %mul3A_605 = arith.mulf %sub3A_601, %sub3A_601 : vector<16xf32>
          %add3A_606 = arith.addf %mul3A_604, %mul3A_605 : vector<16xf32>
          %mul3A_607 = arith.mulf %sub3A_603, %sub3A_603 : vector<16xf32>
          %add3A_608 = arith.addf %add3A_606, %mul3A_607 : vector<16xf32>
          %get3A_609 = arith.index_cast %add3A_591 : i32 to index
          %get3A_610 = tpu.vector_load %arg12[%get3A_609] {strides = array<i32>} : memref<16384xf32, #tpu.memory_space<vmem>>, vector<16xf32>,
          %min3A_611 = arith.minimumf %get3A_610, %add3A_608 : vector<16xf32>
          %gt3A_612 = arith.cmpf ogt, %min3A_611, %select_n3A_586 : vector<16xf32>
          %select_n3A_613 = arith.select %gt3A_612, %min3A_611, %select_n3A_586 : vector<16xi1>, vector<16xf32>
          %add3A_614 = vector.broadcast %add3A_591 : i32 to vector<16xi32>
          %add3A_615 = arith.addi %add3A_614, %iota3A : vector<16xi32>
          %select_n3A_616 = arith.select %gt3A_612, %add3A_615, %select_n3A_589 : vector<16xi1>, vector<16xi32>
          %add3A_617 = arith.constant 240 : i32
          %add3A_618 = arith.addi %mul3A_213, %add3A_617 : i32
          %get3A_619 = arith.index_cast %add3A_618 : i32 to index
          %get3A_620 = tpu.vector_load %arg9[%get3A_619] {strides = array<i32>} : memref<16384xf32, #tpu.memory_space<vmem>>, vector<16xf32>,
          %get3A_621 = arith.index_cast %add3A_618 : i32 to index
          %get3A_622 = tpu.vector_load %arg10[%get3A_621] {strides = array<i32>} : memref<16384xf32, #tpu.memory_space<vmem>>, vector<16xf32>,
          %get3A_623 = arith.index_cast %add3A_618 : i32 to index
          %get3A_624 = tpu.vector_load %arg11[%get3A_623] {strides = array<i32>} : memref<16384xf32, #tpu.memory_space<vmem>>, vector<16xf32>,
          %sub3A_625 = vector.broadcast %scan3A_73 : f32 to vector<16xf32>
          %sub3A_626 = arith.subf %get3A_620, %sub3A_625 : vector<16xf32>
          %sub3A_627 = vector.broadcast %scan3A_74 : f32 to vector<16xf32>
          %sub3A_628 = arith.subf %get3A_622, %sub3A_627 : vector<16xf32>
          %sub3A_629 = vector.broadcast %scan3A_75 : f32 to vector<16xf32>
          %sub3A_630 = arith.subf %get3A_624, %sub3A_629 : vector<16xf32>
          %mul3A_631 = arith.mulf %sub3A_626, %sub3A_626 : vector<16xf32>
          %mul3A_632 = arith.mulf %sub3A_628, %sub3A_628 : vector<16xf32>
          %add3A_633 = arith.addf %mul3A_631, %mul3A_632 : vector<16xf32>
          %mul3A_634 = arith.mulf %sub3A_630, %sub3A_630 : vector<16xf32>
          %add3A_635 = arith.addf %add3A_633, %mul3A_634 : vector<16xf32>
          %get3A_636 = arith.index_cast %add3A_618 : i32 to index
          %get3A_637 = tpu.vector_load %arg12[%get3A_636] {strides = array<i32>} : memref<16384xf32, #tpu.memory_space<vmem>>, vector<16xf32>,
          %min3A_638 = arith.minimumf %get3A_637, %add3A_635 : vector<16xf32>
          %gt3A_639 = arith.cmpf ogt, %min3A_638, %select_n3A_613 : vector<16xf32>
          %select_n3A_640 = arith.select %gt3A_639, %min3A_638, %select_n3A_613 : vector<16xi1>, vector<16xf32>
          %add3A_641 = vector.broadcast %add3A_618 : i32 to vector<16xi32>
          %add3A_642 = arith.addi %add3A_641, %iota3A : vector<16xi32>
          %select_n3A_643 = arith.select %gt3A_639, %add3A_642, %select_n3A_616 : vector<16xi1>, vector<16xi32>
          %add3A_644 = arith.constant 0 : i32
          %add3A_645 = arith.addi %mul3A_213, %add3A_644 : i32
          %swap3A = arith.index_cast %add3A_645 : i32 to index
          %swap3A_646 = tpu.vector_load %arg12[%swap3A] {strides = array<i32>} : memref<16384xf32, #tpu.memory_space<vmem>>, vector<16xf32>,
          tpu.vector_store %arg12[%swap3A], %min3A {strides = array<i32>} : memref<16384xf32, #tpu.memory_space<vmem>>, vector<16xf32>,
          %add3A_647 = arith.constant 16 : i32
          %add3A_648 = arith.addi %mul3A_213, %add3A_647 : i32
          %swap3A_649 = arith.index_cast %add3A_648 : i32 to index
          %swap3A_650 = tpu.vector_load %arg12[%swap3A_649] {strides = array<i32>} : memref<16384xf32, #tpu.memory_space<vmem>>, vector<16xf32>,
          tpu.vector_store %arg12[%swap3A_649], %min3A_260 {strides = array<i32>} : memref<16384xf32, #tpu.memory_space<vmem>>, vector<16xf32>,
          %add3A_651 = arith.constant 32 : i32
          %add3A_652 = arith.addi %mul3A_213, %add3A_651 : i32
          %swap3A_653 = arith.index_cast %add3A_652 : i32 to index
          %swap3A_654 = tpu.vector_load %arg12[%swap3A_653] {strides = array<i32>} : memref<16384xf32, #tpu.memory_space<vmem>>, vector<16xf32>,
          tpu.vector_store %arg12[%swap3A_653], %min3A_287 {strides = array<i32>} : memref<16384xf32, #tpu.memory_space<vmem>>, vector<16xf32>,
          %add3A_655 = arith.constant 48 : i32
          %add3A_656 = arith.addi %mul3A_213, %add3A_655 : i32
          %swap3A_657 = arith.index_cast %add3A_656 : i32 to index
          %swap3A_658 = tpu.vector_load %arg12[%swap3A_657] {strides = array<i32>} : memref<16384xf32, #tpu.memory_space<vmem>>, vector<16xf32>,
          tpu.vector_store %arg12[%swap3A_657], %min3A_314 {strides = array<i32>} : memref<16384xf32, #tpu.memory_space<vmem>>, vector<16xf32>,
          %add3A_659 = arith.constant 64 : i32
          %add3A_660 = arith.addi %mul3A_213, %add3A_659 : i32
          %swap3A_661 = arith.index_cast %add3A_660 : i32 to index
          %swap3A_662 = tpu.vector_load %arg12[%swap3A_661] {strides = array<i32>} : memref<16384xf32, #tpu.memory_space<vmem>>, vector<16xf32>,
          tpu.vector_store %arg12[%swap3A_661], %min3A_341 {strides = array<i32>} : memref<16384xf32, #tpu.memory_space<vmem>>, vector<16xf32>,
          %add3A_663 = arith.constant 80 : i32
          %add3A_664 = arith.addi %mul3A_213, %add3A_663 : i32
          %swap3A_665 = arith.index_cast %add3A_664 : i32 to index
          %swap3A_666 = tpu.vector_load %arg12[%swap3A_665] {strides = array<i32>} : memref<16384xf32, #tpu.memory_space<vmem>>, vector<16xf32>,
          tpu.vector_store %arg12[%swap3A_665], %min3A_368 {strides = array<i32>} : memref<16384xf32, #tpu.memory_space<vmem>>, vector<16xf32>,
          %add3A_667 = arith.constant 96 : i32
          %add3A_668 = arith.addi %mul3A_213, %add3A_667 : i32
          %swap3A_669 = arith.index_cast %add3A_668 : i32 to index
          %swap3A_670 = tpu.vector_load %arg12[%swap3A_669] {strides = array<i32>} : memref<16384xf32, #tpu.memory_space<vmem>>, vector<16xf32>,
          tpu.vector_store %arg12[%swap3A_669], %min3A_395 {strides = array<i32>} : memref<16384xf32, #tpu.memory_space<vmem>>, vector<16xf32>,
          %add3A_671 = arith.constant 112 : i32
          %add3A_672 = arith.addi %mul3A_213, %add3A_671 : i32
          %swap3A_673 = arith.index_cast %add3A_672 : i32 to index
          %swap3A_674 = tpu.vector_load %arg12[%swap3A_673] {strides = array<i32>} : memref<16384xf32, #tpu.memory_space<vmem>>, vector<16xf32>,
          tpu.vector_store %arg12[%swap3A_673], %min3A_422 {strides = array<i32>} : memref<16384xf32, #tpu.memory_space<vmem>>, vector<16xf32>,
          %add3A_675 = arith.constant 128 : i32
          %add3A_676 = arith.addi %mul3A_213, %add3A_675 : i32
          %swap3A_677 = arith.index_cast %add3A_676 : i32 to index
          %swap3A_678 = tpu.vector_load %arg12[%swap3A_677] {strides = array<i32>} : memref<16384xf32, #tpu.memory_space<vmem>>, vector<16xf32>,
          tpu.vector_store %arg12[%swap3A_677], %min3A_449 {strides = array<i32>} : memref<16384xf32, #tpu.memory_space<vmem>>, vector<16xf32>,
          %add3A_679 = arith.constant 144 : i32
          %add3A_680 = arith.addi %mul3A_213, %add3A_679 : i32
          %swap3A_681 = arith.index_cast %add3A_680 : i32 to index
          %swap3A_682 = tpu.vector_load %arg12[%swap3A_681] {strides = array<i32>} : memref<16384xf32, #tpu.memory_space<vmem>>, vector<16xf32>,
          tpu.vector_store %arg12[%swap3A_681], %min3A_476 {strides = array<i32>} : memref<16384xf32, #tpu.memory_space<vmem>>, vector<16xf32>,
          %add3A_683 = arith.constant 160 : i32
          %add3A_684 = arith.addi %mul3A_213, %add3A_683 : i32
          %swap3A_685 = arith.index_cast %add3A_684 : i32 to index
          %swap3A_686 = tpu.vector_load %arg12[%swap3A_685] {strides = array<i32>} : memref<16384xf32, #tpu.memory_space<vmem>>, vector<16xf32>,
          tpu.vector_store %arg12[%swap3A_685], %min3A_503 {strides = array<i32>} : memref<16384xf32, #tpu.memory_space<vmem>>, vector<16xf32>,
          %add3A_687 = arith.constant 176 : i32
          %add3A_688 = arith.addi %mul3A_213, %add3A_687 : i32
          %swap3A_689 = arith.index_cast %add3A_688 : i32 to index
          %swap3A_690 = tpu.vector_load %arg12[%swap3A_689] {strides = array<i32>} : memref<16384xf32, #tpu.memory_space<vmem>>, vector<16xf32>,
          tpu.vector_store %arg12[%swap3A_689], %min3A_530 {strides = array<i32>} : memref<16384xf32, #tpu.memory_space<vmem>>, vector<16xf32>,
          %add3A_691 = arith.constant 192 : i32
          %add3A_692 = arith.addi %mul3A_213, %add3A_691 : i32
          %swap3A_693 = arith.index_cast %add3A_692 : i32 to index
          %swap3A_694 = tpu.vector_load %arg12[%swap3A_693] {strides = array<i32>} : memref<16384xf32, #tpu.memory_space<vmem>>, vector<16xf32>,
          tpu.vector_store %arg12[%swap3A_693], %min3A_557 {strides = array<i32>} : memref<16384xf32, #tpu.memory_space<vmem>>, vector<16xf32>,
          %add3A_695 = arith.constant 208 : i32
          %add3A_696 = arith.addi %mul3A_213, %add3A_695 : i32
          %swap3A_697 = arith.index_cast %add3A_696 : i32 to index
          %swap3A_698 = tpu.vector_load %arg12[%swap3A_697] {strides = array<i32>} : memref<16384xf32, #tpu.memory_space<vmem>>, vector<16xf32>,
          tpu.vector_store %arg12[%swap3A_697], %min3A_584 {strides = array<i32>} : memref<16384xf32, #tpu.memory_space<vmem>>, vector<16xf32>,
          %add3A_699 = arith.constant 224 : i32
          %add3A_700 = arith.addi %mul3A_213, %add3A_699 : i32
          %swap3A_701 = arith.index_cast %add3A_700 : i32 to index
          %swap3A_702 = tpu.vector_load %arg12[%swap3A_701] {strides = array<i32>} : memref<16384xf32, #tpu.memory_space<vmem>>, vector<16xf32>,
          tpu.vector_store %arg12[%swap3A_701], %min3A_611 {strides = array<i32>} : memref<16384xf32, #tpu.memory_space<vmem>>, vector<16xf32>,
          %add3A_703 = arith.constant 240 : i32
          %add3A_704 = arith.addi %mul3A_213, %add3A_703 : i32
          %swap3A_705 = arith.index_cast %add3A_704 : i32 to index
          %swap3A_706 = tpu.vector_load %arg12[%swap3A_705] {strides = array<i32>} : memref<16384xf32, #tpu.memory_space<vmem>>, vector<16xf32>,
          tpu.vector_store %arg12[%swap3A_705], %min3A_638 {strides = array<i32>} : memref<16384xf32, #tpu.memory_space<vmem>>, vector<16xf32>,
          scf.yield %select_n3A_640, %select_n3A_643 : vector<16xf32>, vector<16xi32>
        }
        %scan3A_122 = arith.constant 64 : i32
        %reduce_max3A_123 = arith.constant true
        %reduce_max3A_124 = vector.broadcast %reduce_max3A_123 : i1 to vector<16xi1>
        %reduce_max3A_125 = tpu.scan <max>, %scan3A_121#0 masked %reduce_max3A_124 : vector<16xf32>, vector<16xi1> -> vector<16xf32>
        %reduce_max3A_126 = vector.extract %reduce_max3A_125[15] : f32 from vector<16xf32>
        %eq3A_127 = vector.broadcast %reduce_max3A_126 : f32 to vector<16xf32>
        %eq3A_128 = arith.cmpf oeq, %scan3A_121#0, %eq3A_127 : vector<16xf32>
        %jit3A_129 = arith.constant 16384 : i32
        %broadcast_in_dim3A_130 = vector.broadcast %jit3A_129 : i32 to vector<16xi32>
        %select_n3A_131 = arith.select %eq3A_128, %scan3A_121#1, %broadcast_in_dim3A_130 : vector<16xi1>, vector<16xi32>
        %reduce_min3A = arith.constant true
        %reduce_min3A_132 = vector.broadcast %reduce_min3A : i1 to vector<16xi1>
        %reduce_min3A_133 = arith.constant -2147483648 : i32
        %reduce_min3A_134 = vector.broadcast %reduce_min3A_133 : i32 to vector<16xi32>
        %reduce_min3A_135 = arith.xori %select_n3A_131, %reduce_min3A_134 : vector<16xi32>
        %reduce_min3A_136 = tpu.scan <min>, %reduce_min3A_135 masked %reduce_min3A_132 : vector<16xi32>, vector<16xi1> -> vector<16xi32>
        %reduce_min3A_137 = arith.xori %reduce_min3A_136, %reduce_min3A_134 : vector<16xi32>
        %reduce_min3A_138 = vector.extract %reduce_min3A_137[15] : i32 from vector<16xi32>
        %jit3A_139 = arith.constant 16 : i32
        %div3A = arith.divsi %reduce_min3A_138, %jit3A_139 : i32
        %sign3A = arith.constant 0 : i32
        %sign3A_140 = arith.cmpi sgt, %reduce_min3A_138, %sign3A : i32
        %sign3A_141 = arith.extui %sign3A_140 : i1 to i32
        %sign3A_142 = arith.constant 0 : i32
        %sign3A_143 = arith.cmpi slt, %reduce_min3A_138, %sign3A_142 : i32
        %sign3A_144 = arith.extui %sign3A_143 : i1 to i32
        %sign3A_145 = arith.subi %sign3A_141, %sign3A_144 : i32
        %sign3A_146 = arith.constant 0 : i32
        %sign3A_147 = arith.cmpi sgt, %jit3A_139, %sign3A_146 : i32
        %sign3A_148 = arith.extui %sign3A_147 : i1 to i32
        %sign3A_149 = arith.constant 0 : i32
        %sign3A_150 = arith.cmpi slt, %jit3A_139, %sign3A_149 : i32
        %sign3A_151 = arith.extui %sign3A_150 : i1 to i32
        %sign3A_152 = arith.subi %sign3A_148, %sign3A_151 : i32
        %ne3A_153 = arith.cmpi ne, %sign3A_145, %sign3A_152 : i32
        %rem3A_154 = arith.remsi %reduce_min3A_138, %jit3A_139 : i32
        %ne3A_155 = arith.constant 0 : i32
        %ne3A_156 = arith.cmpi ne, %rem3A_154, %ne3A_155 : i32
        %and3A_157 = arith.andi %ne3A_153, %ne3A_156 : i1
        %sub3A = arith.constant 1 : i32
        %sub3A_158 = arith.subi %div3A, %sub3A : i32
        %select_n3A_159 = arith.select %and3A_157, %sub3A_158, %div3A : i32
        %jit3A_160 = arith.constant 16 : i32
        %eq3A_161 = arith.constant 0 : i32
        %eq3A_162 = arith.cmpi eq, %jit3A_160, %eq3A_161 : i32
        %jit3A_163 = arith.constant 1 : i32
        %select_n3A_164 = arith.select %eq3A_162, %jit3A_163, %jit3A_160 : i32
        %rem3A_165 = arith.remsi %reduce_min3A_138, %select_n3A_164 : i32
        %ne3A_166 = arith.constant 0 : i32
        %ne3A_167 = arith.cmpi ne, %rem3A_165, %ne3A_166 : i32
        %lt3A_168 = arith.constant 0 : i32
        %lt3A_169 = arith.cmpi slt, %rem3A_165, %lt3A_168 : i32
        %lt3A_170 = arith.constant 0 : i32
        %lt3A_171 = arith.cmpi slt, %select_n3A_164, %lt3A_170 : i32
        %ne3A_172 = arith.xori %lt3A_169, %lt3A_171 : i1
        %and3A_173 = arith.andi %ne3A_172, %ne3A_167 : i1
        %add3A_174 = arith.addi %rem3A_165, %select_n3A_164 : i32
        %select_n3A_175 = arith.select %and3A_173, %add3A_174, %rem3A_165 : i32
        %mul3A_176 = arith.constant 16 : i32
        %mul3A_177 = arith.muli %select_n3A_159, %mul3A_176 : i32
        %get3A_178 = arith.index_cast %mul3A_177 : i32 to index
        %get3A_179 = tpu.vector_load %arg9[%get3A_178] {strides = array<i32>} : memref<16384xf32, #tpu.memory_space<vmem>>, vector<16xf32>,
        %eq3A_180 = vector.broadcast %select_n3A_175 : i32 to vector<16xi32>
        %eq3A_181 = arith.cmpi eq, %iota3A, %eq3A_180 : vector<16xi32>
        %select_n3A_182 = arith.select %eq3A_181, %get3A_179, %broadcast_in_dim3A_11 : vector<16xi1>, vector<16xf32>
        %reduce_max3A_183 = arith.constant true
        %reduce_max3A_184 = vector.broadcast %reduce_max3A_183 : i1 to vector<16xi1>
        %reduce_max3A_185 = tpu.scan <max>, %select_n3A_182 masked %reduce_max3A_184 : vector<16xf32>, vector<16xi1> -> vector<16xf32>
        %reduce_max3A_186 = vector.extract %reduce_max3A_185[15] : f32 from vector<16xf32>
        %mul3A_187 = arith.constant 16 : i32
        %mul3A_188 = arith.muli %select_n3A_159, %mul3A_187 : i32
        %get3A_189 = arith.index_cast %mul3A_188 : i32 to index
        %get3A_190 = tpu.vector_load %arg10[%get3A_189] {strides = array<i32>} : memref<16384xf32, #tpu.memory_space<vmem>>, vector<16xf32>,
        %eq3A_191 = vector.broadcast %select_n3A_175 : i32 to vector<16xi32>
        %eq3A_192 = arith.cmpi eq, %iota3A, %eq3A_191 : vector<16xi32>
        %select_n3A_193 = arith.select %eq3A_192, %get3A_190, %broadcast_in_dim3A_11 : vector<16xi1>, vector<16xf32>
        %reduce_max3A_194 = arith.constant true
        %reduce_max3A_195 = vector.broadcast %reduce_max3A_194 : i1 to vector<16xi1>
        %reduce_max3A_196 = tpu.scan <max>, %select_n3A_193 masked %reduce_max3A_195 : vector<16xf32>, vector<16xi1> -> vector<16xf32>
        %reduce_max3A_197 = vector.extract %reduce_max3A_196[15] : f32 from vector<16xf32>
        %mul3A_198 = arith.constant 16 : i32
        %mul3A_199 = arith.muli %select_n3A_159, %mul3A_198 : i32
        %get3A_200 = arith.index_cast %mul3A_199 : i32 to index
        %get3A_201 = tpu.vector_load %arg11[%get3A_200] {strides = array<i32>} : memref<16384xf32, #tpu.memory_space<vmem>>, vector<16xf32>,
        %eq3A_202 = vector.broadcast %select_n3A_175 : i32 to vector<16xi32>
        %eq3A_203 = arith.cmpi eq, %iota3A, %eq3A_202 : vector<16xi32>
        %select_n3A_204 = arith.select %eq3A_203, %get3A_201, %broadcast_in_dim3A_11 : vector<16xi1>, vector<16xf32>
        %reduce_max3A_205 = arith.constant true
        %reduce_max3A_206 = vector.broadcast %reduce_max3A_205 : i1 to vector<16xi1>
        %reduce_max3A_207 = tpu.scan <max>, %select_n3A_204 masked %reduce_max3A_206 : vector<16xf32>, vector<16xi1> -> vector<16xf32>
        %reduce_max3A_208 = vector.extract %reduce_max3A_207[15] : f32 from vector<16xf32>
        scf.yield %reduce_min3A_138, %reduce_max3A_186, %reduce_max3A_197, %reduce_max3A_208, %select_n3A_95, %select_n3A_99, %select_n3A_103, %select_n3A_107 : i32, f32, f32, f32, vector<16xi32>, vector<16xf32>, vector<16xf32>, vector<16xf32>
      }
      %scan3A_62 = arith.constant 1024 : i32
      %mul3A_63 = arith.constant 1024 : i32
      %mul3A_64 = arith.muli %add3A, %mul3A_63 : i32
      "tpu.region"() ({
        %run_scoped3A = tpu.sem_alloc : memref<!tpu.dma_semaphore, #tpu.memory_space<semaphore_mem>>
        %dma_start3A = tpu.memref_slice %arg5[%mul3A_64] : memref<16384xi32, #tpu.memory_space<hbm>> -> memref<1024xi32, #tpu.memory_space<hbm>>
        %dma_start3A_71 = tpu.memref_slice %arg5[%mul3A_64] : memref<16384xi32, #tpu.memory_space<hbm>> -> memref<1024xi32, #tpu.memory_space<hbm>>
        tpu.enqueue_dma source(%arg13 : memref<1024xi32, #tpu.memory_space<vmem>>) target(%dma_start3A_71 : memref<1024xi32, #tpu.memory_space<hbm>>) target_semaphore(%run_scoped3A : memref<!tpu.dma_semaphore, #tpu.memory_space<semaphore_mem>>)
        %dma_wait3A = tpu.memref_slice %arg5[%mul3A_64] : memref<16384xi32, #tpu.memory_space<hbm>> -> memref<1024xi32, #tpu.memory_space<hbm>>
        %dma_wait3A_72 = tpu.memref_slice %arg5[%mul3A_64] : memref<16384xi32, #tpu.memory_space<hbm>> -> memref<1024xi32, #tpu.memory_space<hbm>>
        tpu.wait_dma2 semaphore(%run_scoped3A : memref<!tpu.dma_semaphore, #tpu.memory_space<semaphore_mem>>) src(%arg13 : memref<1024xi32, #tpu.memory_space<vmem>>) dst(%dma_wait3A_72 : memref<1024xi32, #tpu.memory_space<hbm>>)
        tpu.yield
      }) : () -> ()
      %mul3A_65 = arith.constant 1024 : i32
      %mul3A_66 = arith.muli %add3A, %mul3A_65 : i32
      "tpu.region"() ({
        %run_scoped3A = tpu.sem_alloc : memref<!tpu.dma_semaphore, #tpu.memory_space<semaphore_mem>>
        %dma_start3A = tpu.memref_slice %arg6[%mul3A_66] : memref<16384xf32, #tpu.memory_space<hbm>> -> memref<1024xf32, #tpu.memory_space<hbm>>
        %dma_start3A_71 = tpu.memref_slice %arg6[%mul3A_66] : memref<16384xf32, #tpu.memory_space<hbm>> -> memref<1024xf32, #tpu.memory_space<hbm>>
        tpu.enqueue_dma source(%arg14 : memref<1024xf32, #tpu.memory_space<vmem>>) target(%dma_start3A_71 : memref<1024xf32, #tpu.memory_space<hbm>>) target_semaphore(%run_scoped3A : memref<!tpu.dma_semaphore, #tpu.memory_space<semaphore_mem>>)
        %dma_wait3A = tpu.memref_slice %arg6[%mul3A_66] : memref<16384xf32, #tpu.memory_space<hbm>> -> memref<1024xf32, #tpu.memory_space<hbm>>
        %dma_wait3A_72 = tpu.memref_slice %arg6[%mul3A_66] : memref<16384xf32, #tpu.memory_space<hbm>> -> memref<1024xf32, #tpu.memory_space<hbm>>
        tpu.wait_dma2 semaphore(%run_scoped3A : memref<!tpu.dma_semaphore, #tpu.memory_space<semaphore_mem>>) src(%arg14 : memref<1024xf32, #tpu.memory_space<vmem>>) dst(%dma_wait3A_72 : memref<1024xf32, #tpu.memory_space<hbm>>)
        tpu.yield
      }) : () -> ()
      %mul3A_67 = arith.constant 1024 : i32
      %mul3A_68 = arith.muli %add3A, %mul3A_67 : i32
      "tpu.region"() ({
        %run_scoped3A = tpu.sem_alloc : memref<!tpu.dma_semaphore, #tpu.memory_space<semaphore_mem>>
        %dma_start3A = tpu.memref_slice %arg7[%mul3A_68] : memref<16384xf32, #tpu.memory_space<hbm>> -> memref<1024xf32, #tpu.memory_space<hbm>>
        %dma_start3A_71 = tpu.memref_slice %arg7[%mul3A_68] : memref<16384xf32, #tpu.memory_space<hbm>> -> memref<1024xf32, #tpu.memory_space<hbm>>
        tpu.enqueue_dma source(%arg15 : memref<1024xf32, #tpu.memory_space<vmem>>) target(%dma_start3A_71 : memref<1024xf32, #tpu.memory_space<hbm>>) target_semaphore(%run_scoped3A : memref<!tpu.dma_semaphore, #tpu.memory_space<semaphore_mem>>)
        %dma_wait3A = tpu.memref_slice %arg7[%mul3A_68] : memref<16384xf32, #tpu.memory_space<hbm>> -> memref<1024xf32, #tpu.memory_space<hbm>>
        %dma_wait3A_72 = tpu.memref_slice %arg7[%mul3A_68] : memref<16384xf32, #tpu.memory_space<hbm>> -> memref<1024xf32, #tpu.memory_space<hbm>>
        tpu.wait_dma2 semaphore(%run_scoped3A : memref<!tpu.dma_semaphore, #tpu.memory_space<semaphore_mem>>) src(%arg15 : memref<1024xf32, #tpu.memory_space<vmem>>) dst(%dma_wait3A_72 : memref<1024xf32, #tpu.memory_space<hbm>>)
        tpu.yield
      }) : () -> ()
      %mul3A_69 = arith.constant 1024 : i32
      %mul3A_70 = arith.muli %add3A, %mul3A_69 : i32
      "tpu.region"() ({
        %run_scoped3A = tpu.sem_alloc : memref<!tpu.dma_semaphore, #tpu.memory_space<semaphore_mem>>
        %dma_start3A = tpu.memref_slice %arg8[%mul3A_70] : memref<16384xf32, #tpu.memory_space<hbm>> -> memref<1024xf32, #tpu.memory_space<hbm>>
        %dma_start3A_71 = tpu.memref_slice %arg8[%mul3A_70] : memref<16384xf32, #tpu.memory_space<hbm>> -> memref<1024xf32, #tpu.memory_space<hbm>>
        tpu.enqueue_dma source(%arg16 : memref<1024xf32, #tpu.memory_space<vmem>>) target(%dma_start3A_71 : memref<1024xf32, #tpu.memory_space<hbm>>) target_semaphore(%run_scoped3A : memref<!tpu.dma_semaphore, #tpu.memory_space<semaphore_mem>>)
        %dma_wait3A = tpu.memref_slice %arg8[%mul3A_70] : memref<16384xf32, #tpu.memory_space<hbm>> -> memref<1024xf32, #tpu.memory_space<hbm>>
        %dma_wait3A_72 = tpu.memref_slice %arg8[%mul3A_70] : memref<16384xf32, #tpu.memory_space<hbm>> -> memref<1024xf32, #tpu.memory_space<hbm>>
        tpu.wait_dma2 semaphore(%run_scoped3A : memref<!tpu.dma_semaphore, #tpu.memory_space<semaphore_mem>>) src(%arg16 : memref<1024xf32, #tpu.memory_space<vmem>>) dst(%dma_wait3A_72 : memref<1024xf32, #tpu.memory_space<hbm>>)
        tpu.yield
      }) : () -> ()
    } else {
    }
    return
  }
}

</mosaic_0001>

<sc_bundles>
// kernel: _run_sc.3.cloned.1.call-start
scs
__scs_entry_jumppad:
0x0: {  	(pc) =	sbr.rel $0x88, $3  }
0x1: {  	(tag) =	ssettag $0x0;
	lr =	simm.s32 $0x1  }
0x2: {  	[smem:$0x3FA0] =	sst lr;
	_ =	strace $0xD0000000  }
0x3: {  	_ = 	snop  }
0x4: {  	_ = 	snop  }
0x5: {  	_ = 	snop  }
0x6: {  	_ = 	snop  }
0x7: {  	_ = 	snop  }
__scs_overlays_trampoline_lowered:
0x8: {  	[smem:$0x3FAF] =	sst s0  }
0x9: {  	[smem:$0x3FB0] =	sst s1  }
0xa: {  	[smem:$0x3FB1] =	sst s2  }
0xb: {  	[smem:$0x3FB2] =	sst s3  }
0xc: {  	[smem:$0x3FB3] =	sst s4  }
0xd: {  	[smem:$0x3FB4] =	sst s5  }
0xe: {  	[smem:$0x3FB5] =	sst s6  }
0xf: {  	[smem:$0x3FB6] =	sst s7  }
0x10: {  	[smem:$0x3FB7] =	sst s8  }
0x11: {  	[smem:$0x3FB8] =	sst s9;
	s0 =	simm.s32 @!p0 $0x0  }
0x12: {  	s1 =	sld [smem:$0x3F9E];
	s0 =	simm.s32 @p0 $0x1  }
0x13: {  	[smem:$0x3FB9] =	sst s0;
	s0 =	simm.s32 @!p1 $0x0  }
0x14: {  	s2 =	sld [smem:$0x3F9D];
	s0 =	simm.s32 @p1 $0x1  }
0x15: {  	[smem:$0x3FBA] =	sst s0;
	s0 =	simm.s32 @!p2 $0x0  }
0x16: {  	s3 =	sld [smem:$0x3FDB];
	s0 =	simm.s32 @p2 $0x1  }
0x17: {  	s4 =	simm.s32 $0x1BF5;
	[smem:$0x3FBC] =	sst s0  }
0x18: {  	s0 =	sld [smem:$0x3F9F];
	_ =	swait.ge [sflag:s4], $0x0  }
0x19: {  	s7 =	sld [smem:$0x3FA0]  }
0x1a: {  	s8 =	sadd.s32 $0xFFFFE003, lr  }
0x1b: {  	s9 =	sadd.s32 $0xFFFFFEF7, lr;
	s5 =	simm.s32 $0xFFFFFFFF;
	p2 =	slt.u32 s8, $0xFFFFF086  }
0x1c: {  	p1 =	slt.u32 s9, $0xF7A;
	s5 =	simm.s32 @!p2 $0x0  }
0x1d: {  	s5 =	simm.s32 @p1 $0x1;
	p0 =	seq.s32 s7, s2  }
0x1e: {  	s7 =	smul.u32 @!p0 $0xF7A, s2;
	p2 =	seq.s32 @!p0 s5, $0x0  }
0x1f: {  	s9 =	smul.u32 $0xF7A, s1;
	s8 =	simm.s32 @!p0 $0x1BF5;
	p2 =	por !p2, p0  }
0x20: {  	[sflag:s8] =	ssyncset.s32 @!p0 $0xFFFFF086;
	s6 =	sadd.s32 @!p0 s3, s7;
	s7 =	simm.s32 @!p0 $0x108  }
0x21: {  	s3 =	sadd.s32 s3, s9;
	s6 =	sadd.s32 @!p0 $0x88, s6;
	s7 =	simm.s32 @p2 $0x1082  }
0x22: {  	[simem:s7], [sflag:s8] =	dma.local @!p0 [hbm:s6], $0xF7A  }
0x23: {  	s9 =	sor.u32 $0xD0000000, s2;
	s6 =	simm.s32 $0x108;
	_ =	swait.ge @!p0 [sflag:s8], $0x0  }
0x24: {  	s3 =	sadd.s32 $0x88, s3;
	s6 =	simm.s32 @!p1 $0x1082;
	[sflag:s4] =	ssyncset.s32 $0xFFFFF086  }
0x25: {  	[simem:s6], [sflag:s4] =	dma.local [hbm:s3], $0xF7A  }
0x26: {  	[smem:$0x3FA0] =	sst s1;
	(tag) =	ssettag s2;
	_ =	strace s9  }
0x27: {  	s1 =	sld [smem:$0x3FB0]  }
0x28: {  	s2 =	sld [smem:$0x3FB1]  }
0x29: {  	s4 =	sld [smem:$0x3FB3]  }
0x2a: {  	p0 =	seq.s32 s5, $0x0;
	s5 =	sld [smem:$0x3FB4]  }
0x2b: {  	s6 =	sld [smem:$0x3FB5]  }
0x2c: {  	s7 =	sld [smem:$0x3FB6]  }
0x2d: {  	s3 =	simm.s32 $0x108;
	s8 =	sld [smem:$0x3FB7]  }
0x2e: {  	s3 =	simm.s32 @!p0 $0x1082;
	s9 =	sld [smem:$0x3FB8]  }
0x2f: {  	lr =	sadd.s32 s0, s3;
	s0 =	sld [smem:$0x3FAF]  }
0x30: {  	s3 =	sld [smem:$0x3FB2]  }
0x31: {  	[smem:$0x3FBB] =	sst s10  }
0x32: {  	s10 =	sld [smem:$0x3FB9];
	_ =	sdelay $0x3  }
0x33: {  	p0 =	seq.s32 s10, $0x1;
	s10 =	sld [smem:$0x3FBB];
	_ =	sdelay $0x3  }
0x34: {  	[smem:$0x3FBB] =	sst s10  }
0x35: {  	s10 =	sld [smem:$0x3FBA];
	_ =	sdelay $0x3  }
0x36: {  	p1 =	seq.s32 s10, $0x1;
	s10 =	sld [smem:$0x3FBB];
	_ =	sdelay $0x3  }
0x37: {  	[smem:$0x3FBB] =	sst s10  }
0x38: {  	s10 =	sld [smem:$0x3FBC]  }
0x39: {  	_ = 	snop;
	(pc) =	sbr.ind lr, $3  }
0x3a: {  	_ = 	snop  }
0x3b: {  	_ = 	snop  }
0x3c: {  	p2 =	seq.s32 s10, $0x1;
	s10 =	sld [smem:$0x3FBB]  }
0x3d: {  	_ =	shalt  }
0x3e: {  	_ =	shalt  }
0x3f: {  	_ =	shalt  }
0x40: {  	_ =	shalt  }
0x41: {  	_ =	shalt  }
0x42: {  	_ =	shalt  }
0x43: {  	_ =	shalt  }
0x44: {  	_ =	shalt  }
0x45: {  	_ =	shalt  }
0x46: {  	_ =	shalt  }
0x47: {  	_ =	shalt  }
0x48: {  	_ =	shalt  }
0x49: {  	_ =	shalt  }
0x4a: {  	_ =	shalt  }
0x4b: {  	_ =	shalt  }
0x4c: {  	_ =	shalt  }
0x4d: {  	_ =	shalt  }
0x4e: {  	_ =	shalt  }
0x4f: {  	_ =	shalt  }
0x50: {  	_ =	shalt  }
0x51: {  	_ =	shalt  }
0x52: {  	_ =	shalt  }
0x53: {  	_ =	shalt  }
0x54: {  	_ =	shalt  }
0x55: {  	_ =	shalt  }
0x56: {  	_ =	shalt  }
0x57: {  	_ =	shalt  }
0x58: {  	_ =	shalt  }
0x59: {  	_ =	shalt  }
0x5a: {  	_ =	shalt  }
0x5b: {  	_ =	shalt  }
0x5c: {  	_ =	shalt  }
0x5d: {  	_ =	shalt  }
0x5e: {  	_ =	shalt  }
0x5f: {  	_ =	shalt  }
0x60: {  	_ =	shalt  }
0x61: {  	_ =	shalt  }
0x62: {  	_ =	shalt  }
0x63: {  	_ =	shalt  }
0x64: {  	_ =	shalt  }
0x65: {  	_ =	shalt  }
0x66: {  	_ =	shalt  }
0x67: {  	_ =	shalt  }
0x68: {  	_ =	shalt  }
0x69: {  	_ =	shalt  }
0x6a: {  	_ =	shalt  }
0x6b: {  	_ =	shalt  }
0x6c: {  	_ =	shalt  }
0x6d: {  	_ =	shalt  }
0x6e: {  	_ =	shalt  }
0x6f: {  	_ =	shalt  }
0x70: {  	_ =	shalt  }
0x71: {  	_ =	shalt  }
0x72: {  	_ =	shalt  }
0x73: {  	_ =	shalt  }
0x74: {  	_ =	shalt  }
0x75: {  	_ =	shalt  }
0x76: {  	_ =	shalt  }
0x77: {  	_ =	shalt  }
0x78: {  	_ =	shalt  }
0x79: {  	_ =	shalt  }
0x7a: {  	_ =	shalt  }
0x7b: {  	_ =	shalt  }
0x7c: {  	_ =	shalt  }
0x7d: {  	_ =	shalt  }
0x7e: {  	_ =	shalt  }
0x7f: {  	_ =	shalt  }
0x80: {  	_ =	shalt  }
0x81: {  	_ =	shalt  }
0x82: {  	_ =	shalt  }
0x83: {  	_ =	shalt  }
0x84: {  	_ =	shalt  }
0x85: {  	_ =	shalt  }
0x86: {  	_ =	shalt  }
0x87: {  	_ =	shalt  }
.Lfunc_end0:
.L_simem_size_0:
called_computation_lowered:
.L_overlay_start_0:
0x88: {  	s2 =	sld [smem:$0x3FD9]  }
0x89: {  	s3 =	sld [smem:$0x3FFE];
	_ =	sdelay $0x1  }
0x8a: {  	s1 =	srdreg.scid  }
0x8b: {  	s0 =	sand.u32 $0x1, s1  }
0x8c: {  	s14 =	sshll.u32 s0, $0xA;
	s2 =	sadd.s32 s3, s2  }
0x8d: {  	s2 =	sadd.s32 s2, s14  }
0x8e: {  	[smem:$0x3FC7] =	sst s2  }
0x8f: {  	_ = 	snop  }
0x90: {  	s2 =	sld [smem:$0x3FD0];
	_ =	sdelay $0x2  }
0x91: {  	s15 =	simm.s32 $0xA;
	s4 =	simm.s32 $0x10  }
0x92: {  	[smem:s4], [sflag:s15] =	dma.local [hbm:s2], $0x1  }
0x93: {  	_ =	swait.eq [sflag:s15], $0x1  }
0x94: {  	[sflag:s15] =	ssyncset.done $0x0  }
0x95: {  	[sflag:s15] =	ssyncadd.s32 $0xFFFFFFFF  }
0x96: {  	s16 =	sld [smem:$0x11];
	(tm) =	ssettm $0x1  }
0x97: {  	s17 =	sld [smem:$0x3FFB];
	_ =	sdelay $0x3  }
0x98: {  	_ =	strace s17  }
0x99: {  	s3 =	sld [smem:$0x3FFC];
	_ =	sdelay $0x3  }
0x9a: {  	_ =	strace s3  }
0x9b: {  	s3 =	sld [smem:$0x3FFD];
	_ =	sdelay $0x3  }
0x9c: {  	_ =	strace s3  }
0x9d: {  	_ =	strace $0x8FFFFFFF  }
0x9e: {  	s18 =	sld [smem:$0x3FDB];
	_ =	sdelay $0x1  }
0x9f: {  	s19 =	simm.s32 $_scs_section_size  }
0xa0: {  	s5 =	simm.s32 $_size__tile_overlayer_lowered;
	s6 =	simm.s32 $_tile_overlayer_lowered  }
0xa1: {  	s22 =	simm.s32 $0x1BFF;
	s21 =	sshll.u32 s6, $0x1;
	s3 =	sadd.s32 s19, s18  }
0xa2: {  	s7 =	simm.s32 $0x0;
	s20 =	sshll.u32 s5, $0x1;
	s5 =	sadd.s32 s21, s3  }
0xa3: {  	[timem:s7], [sflag:s22] =	dma.local [hbm:s5], s20  }
0xa4: {  	_ =	swait.ge [sflag:s22], s20  }
0xa5: {  	s4 =	ssub.s32 $0x0, s20;
	[sflag:s22] =	ssyncset.done $0x0  }
0xa6: {  	[sflag:s22] =	ssyncadd.s32 s4;
	_ =	sdelay $0x1  }
0xa7: {  	s23 =	simm.s32 $0x1B8B  }
0xa8: {  	_ =	swait.ge [sflag:s23], $0x1  }
0xa9: {  	[sflag:s23] =	ssyncset.done $0x0  }
0xaa: {  	s25 =	simm.s32 $0x1B8E;
	s24 =	sld [smem:$0x3FFE];
	[sflag:s23] =	ssyncadd.s32 $0xFFFFFFFF  }
0xab: {  	s26 =	simm.s32 $execute0_lowered;
	[smem:$0x3FD2] =	sst s25  }
0xac: {  	s5 =	sshll.u32 s26, $0x1;
	_ =	strace $0x80000046;
	[dreg:$0x1] =	wrdreg $0xFFFFFFFF  }
0xad: {  	s28 =	simm.s32 $_size_execute0_lowered;
	s3 =	sadd.s32 s3, s5;
	[dreg:$0x0] =	wrdreg $0x0  }
0xae: {  	s5 =	sshll.u32 s28, $0x1;
	[dreg:$0x2] =	wrdreg s3  }
0xaf: {  	[dreg:$0x3] =	wrdreg s5  }
0xb0: {  	[dreg:$0x4] =	wrdreg $0xC0  }
0xb1: {  	_ =	task [dreg:s7], $0x5FFFF  }
0xb2: {  	[dreg:$0x1] =	wrdreg $0xFFFFFFFF  }
0xb3: {  	[dreg:$0x0] =	wrdreg $0x60  }
0xb4: {  	[dreg:$0x2] =	wrdreg s24  }
0xb5: {  	[dreg:$0x3] =	wrdreg s16  }
0xb6: {  	[dreg:$0x4] =	wrdreg $0x9  }
0xb7: {  	_ =	task.clear_ibuf [dreg:s7], $0x5FFFF;
	_ =	strace $0x90000046  }
0xb8: {  	s29 =	simm.s32 $0x9;
	_ =	strace $0x80000048  }
0xb9: {  	_ =	swait.ge [sflag:s29], $0x1  }
0xba: {  	[sflag:s29] =	ssyncadd.s32 $0xFFFFFFFF  }
0xbb: {  	_ =	strace $0x90000048  }
0xbc: {  	_ =	sfence  }
0xbd: {  	s30 =	sld [smem:$0x0];
	_ =	sdelay $0x2  }
0xbe: {  	s31 =	sshll.u32 s1, $0xD;
	s1 =	sshrl.u32 s1, $0x2  }
0xbf: {  	s3 =	sand.u32 $0x4000, s31;
	s1 =	sadd.s32 s1, s30  }
0xc0: {  	s0 =	sor.u32 s3, s0;
	s1 =	sshll.u32 s1, $0x11  }
0xc1: {  	s0 =	sor.u32 s1, s0  }
0xc2: {  	s0 =	sadd.s32 $0x8F2B, s0  }
0xc3: {  	[sflag:s0] =	ssyncadd.remote.s32 $0x1  }
0xc4: {  	_ =	sfence.sel $0xFFFF  }
0xc5: {  	[dreg:$0x0] =	wrdreg $0xFFFFFFFF;
	(pc) =	sbr.abs _section_cstart, $3  }
0xc6: {  	[dreg:$0x1] =	wrdreg $0xFFFFFFFF  }
0xc7: {  	_ =	task.clear_ibuf [dreg:s7], $0x2FFFF;
	_ =	strace $0x9FFFFFFF  }
0xc8: {  	(tm) =	ssettm $0x7FFFFFFF  }
0xc9: {  	_ =	shalt  }
tec
execute0_lowered:
.L_overlay_start_1:
0x0: {  	(tag) =	ssettag $0x1  }
0x1: {  	s1 =	stileid.u32  }
0x2: {  	p0 =	sgt.u32 s1, $0x7  }
.Ltmp0:
0x3: {  	_ = 	snop;
	(pc) =	sbr.rel @p0 .LBB2_9-.Ltmp0, $4  }
0x4: {  	s3 =	rddreg [dreg:$0x0]  }
0x5: {  	s5 =	rddreg [dreg:$0x1];
	s2 =	simm.s32 $0x0  }
0x6: {  	[smem:$0x7FF] =	sst s2  }
0x7: {  	s0 =	rddreg [dreg:$0x2];
	_ =	strace $0x80000047  }
0x8: {  	s4 =	srdreg.scid  }
0x9: {  	s10 =	sadd.s32 $0x10A00, s3;
	s14 =	simm.s32 $0x10000;
	s6 =	sand.u32 $0x1, s4  }
0xa: {  	s15 =	simm.s32 $0x10400;
	s16 =	simm.s32 $0x10800;
	s4 =	sshll.u32 s6, $0x3  }
0xb: {  	s17 =	simm.s32 $0x10C00;
	s12 =	ssub.s32 $0x2, s6;
	s4 =	sadd.s32 s1, s4  }
0xc: {  	s18 =	simm.s32 $0x0;
	s13 =	sshrl.u32 s12, $0x1;
	s9 =	sshll.u32 s4, $0xB  }
0xd: {  	s8 =	sshll.u32 s4, $0x7;
	s31 =	ssub.s32 s12, s13;
	s12 =	simm.s32 $0x4000  }
0xe: {  	s13 =	simm.s32 $0x8000;
	s7 =	sadd.s32 s9, s3;
	s11 =	sadd.s32 s8, s3  }
0xf: {  	s5 =	sadd.s32 s5, s8;
	s9 =	sadd.s32 s10, s9;
	s10 =	smax.u32 s31, $0x1  }
0x10: {  	s3 =	sadd.s32 $0x8A00, s7;
	s4 =	sadd.s32 $0xA00, s7;
	s6 =	sadd.s32 $0x18A00, s11  }
0x11: {  	v0 =	vimm.f32 $1.000000000e+10;
	vm0 =	vmmov $0x1;
	v1 =	vlaneseq.u32;
	s7 =	sadd.s32 $0x19200, s11;
	s8 =	sadd.s32 $0x19A00, s11;
	s11 =	simm.s32 $0x1  }
.LBB2_2:
0x12: {  	s19 =	simm.s32 $0x0  }
0x13: {  	[tilespmem:s19], [sflag:$0x1] =	stream.linear.gather [hbm4b:s9+s19], $0x4000, $0x38;
	[tilespmem:$0x11000] =	vst v63  }
0x14: {  	_ =	swait.ge [sflag:s11], $0x4000  }
0x15: {  	[sflag:s11] =	ssyncset.done $0x0  }
0x16: {  	[sflag:s11] =	ssyncadd.s32 $0xFFFFC000  }
0x17: {  	[tilespmem:s12], [sflag:$0x1] =	stream.linear.gather [hbm4b:s3+s19], $0x4000, $0x38;
	[tilespmem:$0x11000] =	vst v63  }
0x18: {  	_ =	swait.ge [sflag:s11], $0x4000  }
0x19: {  	[sflag:s11] =	ssyncset.done $0x0  }
0x1a: {  	[sflag:s11] =	ssyncadd.s32 $0xFFFFC000  }
0x1b: {  	[tilespmem:s13], [sflag:$0x1] =	stream.linear.gather [hbm4b:s4+s19], $0x4000, $0x38;
	[tilespmem:$0x11000] =	vst v63  }
0x1c: {  	_ =	swait.ge [sflag:s11], $0x4000  }
0x1d: {  	[sflag:s11] =	ssyncset.done $0x0  }
0x1e: {  	s20 =	simm.s32 $0x0;
	s19 =	simm.s32 $0x40;
	[sflag:s11] =	ssyncadd.s32 $0xFFFFC000  }
.LBB2_3:
0x1f: {  	p0 =	sne.s32 s19, $0xFFC0;
	[tilespmem:s20+$0xC000] =	vst v0;
	s20 =	smov.u32 s19;
	s19 =	sadd.s32 $0x40, s19  }
.Ltmp1:
0x20: {  	(pc) =	sbr.rel @p0 .LBB2_3-.Ltmp1, $2  }
0x21: {  	_ =	sdelay $0x2  }
0x22: {  	s20 =	sshra.s32 s20, $0x2  }
0x23: {  	[tilespmem:s20+$0xC000] =	vst v0  }
0x24: {  	v2 =	vld [tilespmem:$0x0]  }
0x25: {  	v3 =	vld [tilespmem:$0x4000]  }
0x26: {  	v4 =	vld [tilespmem:$0x8000];
	_ =	sdelay $0x2  }
0x27: {  	v2 =	vnsel vm0, $0xF149F2CA, v2  }
0x28: {  	(xrf0) =	vmax.scan.msk.f32 $0xffff, v2;
	v2 =	vnsel vm0, $0xF149F2CA, v3  }
0x29: {  	(xrf0) =	vmax.scan.msk.f32 $0xffff, v2;
	v2 =	vnsel vm0, $0xF149F2CA, v4  }
0x2a: {  	(xrf0) =	vmax.scan.msk.f32 $0xffff, v2;
	_ =	sdelay $0x3  }
0x2b: {  	v2, _, _ =	vpop (xrf0)  }
0x2c: {  	v3, _, _ =	vpop (xrf0);
	(v2sf) =	vpush v2, $0xF  }
0x2d: {  	(v2sf) =	vpush v3, $0xF;
	v2, _, _ =	vpop (xrf0)  }
0x2e: {  	(v2sf) =	vpush v2, $0xF;
	_ =	sdelay $0xc  }
0x2f: {  	s21 =	spop (v2sf)  }
0x30: {  	v5 =	vimm.f32 $0.0e+00;
	s23 =	spop (v2sf)  }
0x31: {  	s20 =	simm.s32 $0x0;
	s19 =	simm.s32 $0x0;
	v4 =	vimm.f32 $0.0e+00;
	v3 =	vimm.f32 $0.0e+00;
	v2 =	vimm.s32 $0x0;
	s22 =	spop (v2sf)  }
.LBB2_5:
0x32: {  	s24 =	sand.u32 $0xF, s19  }
0x33: {  	v6 =	vmov s24  }
0x34: {  	p0 =	sne.s32 s24, $0xF;
	vm1 =	veq.s32 v6, v1  }
0x35: {  	s24 =	sand.u32 @!p0 $0x3F0, s19;
	v2 =	vsel vm1, s20, v2  }
0x36: {  	v5 =	vsel vm1, s21, v5;
	[tilespmem:s24+$0x10000] =	vst @!p0 v2  }
0x37: {  	v4 =	vsel vm1, s23, v4;
	[tilespmem:s24+$0x10400] =	vst @!p0 v5  }
0x38: {  	v7 =	vmov s23;
	v6 =	vmov s21;
	v3 =	vsel vm1, s22, v3;
	s20 =	simm.s32 $0xF0;
	s21 =	simm.s32 $0xC080;
	[tilespmem:s24+$0x10800] =	vst @!p0 v4  }
0x39: {  	v8 =	vmov s22;
	v10 =	vimm.f32 $-1.000000000e+00;
	v11 =	vimm.s32 $0x0;
	s22 =	simm.s32 $0x8080;
	s23 =	simm.s32 $0x4080;
	[tilespmem:s24+$0x10C00] =	vst @!p0 v3;
	s24 =	simm.s32 $0x80  }
.LBB2_6:
0x3a: {  	v9 =	vld [tilespmem:s24+$0xFFFFFF80]  }
0x3b: {  	v12 =	vld [tilespmem:s23+$0xFFFFFF80]  }
0x3c: {  	v13 =	vld [tilespmem:s22+$0xFFFFFF80]  }
0x3d: {  	v14 =	vld [tilespmem:s24+$0xFFFFFF90]  }
0x3e: {  	v15 =	vld [tilespmem:s23+$0xFFFFFF90]  }
0x3f: {  	v16 =	vld [tilespmem:s22+$0xFFFFFF90]  }
0x40: {  	v17 =	vld [tilespmem:s24+$0xFFFFFFA0]  }
0x41: {  	v18 =	vld [tilespmem:s23+$0xFFFFFFA0]  }
0x42: {  	v19 =	vld [tilespmem:s22+$0xFFFFFFA0]  }
0x43: {  	v48 =	vld [tilespmem:s23+$0xFFFFFFB0];
	s25 =	sadd.s32 $0xFFFFFF10, s20  }
0x44: {  	s28 =	sadd.s32 $0xFFFFFF20, s20;
	v23 =	vld [tilespmem:s22+$0xFFFFFFD0];
	v22 =	vor.u32 s25, v1;
	v9 =	vsub.f32 v9, v6;
	v12 =	vsub.f32 v12, v7  }
0x45: {  	s29 =	sadd.s32 $0xFFFFFF30, s20;
	v26 =	vld [tilespmem:s24+$0xFFFFFFE0];
	v55 =	vor.u32 s28, v1;
	v13 =	vsub.f32 v13, v8;
	v14 =	vsub.f32 v14, v6  }
0x46: {  	v27 =	vld [tilespmem:s22+$0xFFFFFFE0];
	s30 =	sadd.s32 $0xFFFFFF40, s20;
	v25 =	vor.u32 s29, v1;
	v15 =	vsub.f32 v15, v7;
	v16 =	vsub.f32 v16, v8  }
0x47: {  	s31 =	sadd.s32 $0xFFFFFF50, s20;
	v29 =	vor.u32 s30, v1;
	v17 =	vsub.f32 v17, v6;
	v18 =	vsub.f32 v18, v7  }
0x48: {  	v49 =	vld [tilespmem:s22+$0xFFFFFFB0];
	v32 =	vor.u32 s31, v1;
	v47 =	vsub.f32 v19, v8;
	v19 =	vsub.f32 v48, v7  }
0x49: {  	v46 =	vld [tilespmem:s24+$0xFFFFFFB0];
	v23 =	vsub.f32 v23, v8;
	v9 =	vmul.f32 v9, v9;
	v12 =	vmul.f32 v12, v12  }
0x4a: {  	v51 =	vld [tilespmem:s24+$0xFFFFFFC0];
	v33 =	vsub.f32 v26, v6;
	v42 =	vmul.f32 v13, v13;
	v14 =	vmul.f32 v14, v14  }
0x4b: {  	v43 =	vld [tilespmem:s21+$0xFFFFFF80];
	s28 =	sadd.s32 $0xFFFFFF70, s20;
	v36 =	vsub.f32 v27, v8;
	v15 =	vmul.f32 v15, v15;
	v45 =	vmul.f32 v16, v16  }
0x4c: {  	v54 =	vld [tilespmem:s22+$0xFFFFFFC0];
	v48 =	vor.u32 s28, v1;
	v17 =	vmul.f32 v17, v17;
	v18 =	vmul.f32 v18, v18  }
0x4d: {  	v38 =	vld [tilespmem:s22+$0x0];
	v16 =	vmul.f32 v47, v47;
	v13 =	vsub.f32 v49, v8;
	v9 =	vadd.f32 v12, v9  }
0x4e: {  	v19 =	vmul.f32 v19, v19;
	v49 =	vld [tilespmem:s22+$0x20];
	v44 =	vadd.f32 v15, v14;
	v50 =	vadd.f32 v18, v17  }
0x4f: {  	v20 =	vld [tilespmem:s21+$0xFFFFFF90];
	s29 =	sadd.s32 $0xFFFFFF80, s20;
	v39 =	vmul.f32 v36, v36;
	v15 =	vsub.f32 v46, v6;
	v17 =	vsub.f32 v51, v6  }
0x50: {  	v30 =	vld [tilespmem:s23+$0xFFFFFFF0];
	v13 =	vmul.f32 v13, v13;
	v51 =	vor.u32 s29, v1;
	v9 =	vadd.f32 v42, v9  }
0x51: {  	v53 =	vld [tilespmem:s23+$0xFFFFFFC0];
	v12 =	vadd.f32 v45, v44;
	v14 =	vadd.f32 v16, v50;
	v15 =	vmul.f32 v15, v15  }
0x52: {  	v56 =	vld [tilespmem:s24+$0xFFFFFFD0];
	s31 =	sadd.s32 $0xFFFFFFA0, s20;
	v16 =	vsub.f32 v54, v8;
	v17 =	vmul.f32 v17, v17;
	v42 =	vsub.f32 v38, v8  }
0x53: {  	v21 =	vld [tilespmem:s21+$0xFFFFFFA0];
	v38 =	vor.u32 s31, v1;
	v26 =	vsub.f32 v49, v8;
	v9 =	vmin.f32 v43, v9  }
0x54: {  	v57 =	vld [tilespmem:s23+$0xFFFFFFD0];
	v15 =	vadd.f32 v19, v15;
	v16 =	vmul.f32 v16, v16;
	vm1 =	vgt.f32 v9, v10  }
0x55: {  	v28 =	vld [tilespmem:s24+$0xFFFFFFF0];
	v19 =	vsub.f32 v30, v7;
	v46 =	vmul.f32 v42, v42;
	v52 =	vsel vm1, v9, v10  }
0x56: {  	v30 =	vld [tilespmem:s23+$0x10];
	v10 =	vmin.f32 v20, v12;
	v11 =	vsel vm1, v22, v11;
	v12 =	vsub.f32 v53, v7  }
0x57: {  	v58 =	vld [tilespmem:s21+$0xFFFFFFB0];
	v22 =	vsub.f32 v56, v6;
	v13 =	vadd.f32 v13, v15;
	vm1 =	vgt.f32 v10, v52  }
0x58: {  	v61 =	vld [tilespmem:s23+$0xFFFFFFE0];
	v19 =	vmul.f32 v19, v19;
	v18 =	vsel vm1, v10, v52;
	v20 =	vsel vm1, v55, v11  }
0x59: {  	v31 =	vld [tilespmem:s22+$0xFFFFFFF0];
	v11 =	vmin.f32 v21, v14;
	v12 =	vmul.f32 v12, v12;
	v14 =	vsub.f32 v57, v7  }
0x5a: {  	v53 =	vld [tilespmem:s24+$0x30];
	v22 =	vmul.f32 v22, v22;
	v21 =	vsub.f32 v28, v6;
	vm1 =	vgt.f32 v11, v18  }
0x5b: {  	v35 =	vld [tilespmem:s23+$0x0];
	v52 =	vsub.f32 v30, v7;
	v18 =	vsel vm1, v11, v18;
	v60 =	vadd.f32 v12, v17  }
0x5c: {  	v41 =	vld [tilespmem:s22+$0x10];
	v14 =	vmul.f32 v14, v14;
	v20 =	vsel vm1, v25, v20;
	v12 =	vmin.f32 v58, v13  }
0x5d: {  	s30 =	sadd.s32 $0xFFFFFF90, s20;
	v28 =	vld [tilespmem:s24+$0x10];
	v25 =	vmul.f32 v23, v23;
	v17 =	vsub.f32 v61, v7;
	v23 =	vmul.f32 v33, v33  }
0x5e: {  	v57 =	vld [tilespmem:s22+$0x30];
	v21 =	vmul.f32 v21, v21;
	v33 =	vor.u32 s30, v1;
	vm1 =	vgt.f32 v12, v18  }
0x5f: {  	v59 =	vld [tilespmem:s21+$0xFFFFFFC0];
	v56 =	vmul.f32 v52, v52;
	v30 =	vsub.f32 v53, v6;
	v62 =	vadd.f32 v16, v60  }
0x60: {  	v34 =	vld [tilespmem:s24+$0x0];
	v14 =	vadd.f32 v14, v22;
	v18 =	vsel vm1, v12, v18;
	v20 =	vsel vm1, v29, v20  }
0x61: {  	s26 =	sadd.s32 $0xFFFFFF60, s20;
	v47 =	vld [tilespmem:s23+$0x20];
	v17 =	vmul.f32 v17, v17;
	v16 =	vsub.f32 v31, v8;
	v22 =	vsub.f32 v35, v7  }
0x62: {  	v36 =	vld [tilespmem:s22+$0x50];
	v29 =	vor.u32 s26, v1;
	v19 =	vadd.f32 v19, v21;
	v21 =	vsub.f32 v41, v8;
	s26 =	sadd.s32 $0xFFFFFFB0, s20  }
0x63: {  	v58 =	vld [tilespmem:s24+$0x40];
	v28 =	vsub.f32 v28, v6;
	v61 =	vsub.f32 v57, v8;
	v41 =	vor.u32 s26, v1  }
0x64: {  	v24 =	vld [tilespmem:s21+$0xFFFFFFD0];
	v13 =	vmin.f32 v59, v62;
	v14 =	vadd.f32 v25, v14;
	v17 =	vadd.f32 v17, v23  }
0x65: {  	v63 =	vld [tilespmem:s21+$0xFFFFFFE0];
	v25 =	vsub.f32 v34, v6;
	v16 =	vmul.f32 v16, v16;
	v22 =	vmul.f32 v22, v22  }
0x66: {  	v54 =	vld [tilespmem:s23+$0x30];
	v23 =	vsub.f32 v47, v7;
	v21 =	vmul.f32 v21, v21;
	v59 =	vmul.f32 v26, v26  }
0x67: {  	v37 =	vld [tilespmem:s21+$0xFFFFFFF0];
	v62 =	vmul.f32 v30, v30;
	v47 =	vsub.f32 v36, v8;
	vm1 =	vgt.f32 v13, v18  }
0x68: {  	v40 =	vld [tilespmem:s21+$0x0];
	s29 =	sadd.s32 $0xFFFFFFD0, s20;
	v55 =	vmul.f32 v28, v28;
	v26 =	vmul.f32 v61, v61;
	v28 =	vsub.f32 v58, v6  }
0x69: {  	v44 =	vld [tilespmem:s24+$0x20];
	v61 =	vor.u32 s29, v1;
	v18 =	vsel vm1, v13, v18;
	v20 =	vsel vm1, v32, v20  }
0x6a: {  	v43 =	vld [tilespmem:s21+$0x10];
	v14 =	vmin.f32 v24, v14;
	v17 =	vadd.f32 v39, v17;
	v25 =	vmul.f32 v25, v25  }
0x6b: {  	v34 =	vld [tilespmem:s22+$0x40];
	v16 =	vadd.f32 v16, v19;
	v23 =	vmul.f32 v23, v23;
	v24 =	vsub.f32 v54, v7  }
0x6c: {  	v60 =	vld [tilespmem:s24+$0x50];
	v49 =	vmul.f32 v47, v47;
	vm1 =	vgt.f32 v14, v18;
	v28 =	vmul.f32 v28, v28  }
0x6d: {  	v32 =	vld [tilespmem:s23+$0x40];
	v18 =	vsel vm1, v14, v18;
	v20 =	vsel vm1, v29, v20;
	v15 =	vmin.f32 v63, v17  }
0x6e: {  	v39 =	vld [tilespmem:s23+$0x60];
	v45 =	vadd.f32 v22, v25;
	v16 =	vmin.f32 v37, v16;
	v17 =	vsub.f32 v44, v6  }
0x6f: {  	v42 =	vld [tilespmem:s24+$0x70];
	v25 =	vadd.f32 v56, v55;
	v24 =	vmul.f32 v24, v24;
	vm1 =	vgt.f32 v15, v18  }
0x70: {  	v31 =	vld [tilespmem:s21+$0x30];
	v44 =	vsub.f32 v34, v8;
	v18 =	vsel vm1, v15, v18;
	v20 =	vsel vm1, v48, v20  }
0x71: {  	v63 =	vld [tilespmem:s23+$0x50];
	v19 =	vadd.f32 v46, v45;
	v17 =	vmul.f32 v17, v17;
	v21 =	vadd.f32 v21, v25  }
0x72: {  	v37 =	vld [tilespmem:s24+$0x60];
	v24 =	vadd.f32 v24, v62;
	v25 =	vsub.f32 v60, v6;
	vm1 =	vgt.f32 v16, v18  }
0x73: {  	v45 =	vld [tilespmem:s22+$0x70];
	v32 =	vsub.f32 v32, v7;
	v48 =	vsub.f32 v39, v7;
	v18 =	vsel vm1, v16, v18  }
0x74: {  	v20 =	vsel vm1, v51, v20;
	v19 =	vmin.f32 v40, v19;
	v17 =	vadd.f32 v23, v17;
	v40 =	vld [tilespmem:s22+$0x60]  }
0x75: {  	s28 =	sadd.s32 $0xFFFFFFC0, s20;
	v21 =	vmin.f32 v43, v21;
	v24 =	vadd.f32 v26, v24;
	v43 =	vld [tilespmem:s23+$0x70];
	[tilespmem:s21+$0xFFFFFF90] =	vst v10;
	v10 =	vmul.f32 v44, v44  }
0x76: {  	v50 =	vld [tilespmem:s21+$0x20];
	[tilespmem:s21+$0xFFFFFFA0] =	vst v11;
	v11 =	vor.u32 s28, v1;
	v25 =	vmul.f32 v25, v25;
	v51 =	vsub.f32 v42, v6  }
0x77: {  	[tilespmem:s21+$0xFFFFFF80] =	vst v9;
	vm1 =	vgt.f32 v19, v18;
	v32 =	vmul.f32 v32, v32;
	v30 =	vsub.f32 v63, v7  }
0x78: {  	v9 =	vld [tilespmem:s21+$0x40];
	[tilespmem:s21+$0xFFFFFFC0] =	vst v13;
	v13 =	vmul.f32 v48, v48;
	v18 =	vsel vm1, v19, v18;
	v20 =	vsel vm1, v33, v20  }
0x79: {  	v17 =	vadd.f32 v59, v17;
	v24 =	vmin.f32 v31, v24;
	v28 =	vadd.f32 v32, v28  }
0x7a: {  	v22 =	vmul.f32 v51, v51;
	vm1 =	vgt.f32 v21, v18;
	v30 =	vmul.f32 v30, v30  }
0x7b: {  	v18 =	vsel vm1, v21, v18;
	v17 =	vmin.f32 v50, v17;
	v10 =	vadd.f32 v10, v28  }
0x7c: {  	v55 =	vsub.f32 v45, v8;
	v20 =	vsel vm1, v38, v20;
	vm1 =	vgt.f32 v17, v18  }
0x7d: {  	v46 =	vadd.f32 v30, v25;
	v9 =	vmin.f32 v9, v10;
	v10 =	vsub.f32 v37, v6  }
0x7e: {  	[tilespmem:s21+$0xFFFFFFB0] =	vst v12;
	v50 =	vld [tilespmem:s21+$0x50];
	v52 =	vsub.f32 v43, v7;
	v53 =	vsub.f32 v40, v8;
	v59 =	vmul.f32 v55, v55  }
0x7f: {  	[tilespmem:s21+$0xFFFFFFD0] =	vst v14;
	v20 =	vsel vm1, v41, v20;
	v18 =	vsel vm1, v17, v18;
	v10 =	vmul.f32 v10, v10  }
0x80: {  	v54 =	vld [tilespmem:s21+$0x60];
	[tilespmem:s21+$0xFFFFFFE0] =	vst v15;
	vm1 =	vgt.f32 v24, v18;
	v23 =	vmul.f32 v52, v52;
	v12 =	vadd.f32 v49, v46  }
0x81: {  	[tilespmem:s21+$0xFFFFFFF0] =	vst v16;
	v56 =	vmul.f32 v53, v53;
	v18 =	vsel vm1, v24, v18;
	v10 =	vadd.f32 v13, v10  }
0x82: {  	v57 =	vld [tilespmem:s21+$0x70];
	[tilespmem:s21+$0x0] =	vst v19;
	v11 =	vsel vm1, v11, v20;
	vm1 =	vgt.f32 v9, v18;
	v58 =	vadd.f32 v23, v22  }
0x83: {  	s30 =	sadd.s32 $0xFFFFFFE0, s20;
	[tilespmem:s21+$0x10] =	vst v21;
	v12 =	vmin.f32 v50, v12;
	v60 =	vsel vm1, v9, v18;
	v10 =	vadd.f32 v56, v10  }
0x84: {  	p0 =	sne.s32 s20, $0x3FF0;
	v62 =	vor.u32 s30, v1;
	[tilespmem:s21+$0x40] =	vst v9;
	v9 =	vsel vm1, v61, v11;
	vm2 =	vgt.f32 v12, v60  }
.Ltmp2:
0x85: {  	[tilespmem:s21+$0x30] =	vst v24;
	v15 =	vadd.f32 v59, v58;
	v11 =	vsel vm2, v12, v60;
	v10 =	vmin.f32 v54, v10;
	(pc) =	sbr.rel @p0 .LBB2_6-.Ltmp2, $4  }
0x86: {  	s31 =	sadd.s32 $0xFFFFFFF0, s20;
	[tilespmem:s21+$0x20] =	vst v17;
	v9 =	vsel vm2, v62, v9;
	vm1 =	vgt.f32 v10, v11  }
0x87: {  	v63 =	vmin.f32 v57, v15;
	[tilespmem:s21+$0x60] =	vst v10;
	v10 =	vsel vm1, v10, v11;
	v11 =	vor.u32 s31, v1  }
0x88: {  	s24 =	sadd.s32 $0x100, s24;
	s22 =	sadd.s32 $0x100, s22;
	[tilespmem:s21+$0x50] =	vst v12;
	v9 =	vsel vm1, v11, v9;
	vm1 =	vgt.f32 v63, v10;
	v11 =	vor.u32 s20, v1  }
0x89: {  	s23 =	sadd.s32 $0x100, s23;
	[tilespmem:s21+$0x70] =	vst v63;
	s21 =	sadd.s32 $0x100, s21;
	s20 =	sadd.s32 $0x100, s20;
	v10 =	vsel vm1, v63, v10;
	v11 =	vsel vm1, v11, v9  }
0x8a: {  	(xrf0) =	vmax.scan.msk.f32 $0xffff, v10;
	_ =	sdelay $0x5  }
0x8b: {  	v6, _, _ =	vpop (xrf0)  }
0x8c: {  	v6 =	vbroadcast v6, $0xF;
	_ =	sdelay $0x1  }
0x8d: {  	vm1 =	veq.f32 v10, v6;
	v6 =	vxor.u32 $0x80000000, v11  }
0x8e: {  	v6 =	vnsel vm1, $0x80004000, v6  }
0x8f: {  	(xrf0) =	vmin.scan.msk.u32 $0xffff, v6;
	_ =	sdelay $0x5  }
0x90: {  	v6, _, _ =	vpop (xrf0)  }
0x91: {  	(v2sf) =	vpush v6, $0xF;
	_ =	sdelay $0xe  }
0x92: {  	s21 =	spop (v2sf)  }
0x93: {  	s20 =	sxor.u32 $0x80000000, s21  }
0x94: {  	s22 =	sshra.s32 s20, $0x1F  }
0x95: {  	s22 =	sshrl.u32 s22, $0x1C  }
0x96: {  	s22 =	sadd.s32 s22, s20  }
0x97: {  	p1 =	sgt.s32 s21, $0xFFFFFFFF;
	p0 =	slt.s32 s20, $0x1;
	s23 =	sand.u32 $0xFFFFFFF0, s22  }
0x98: {  	p0 =	por p1, p0;
	p6 =	sne.s32 s20, s23  }
0x99: {  	p0 =	por !p0, !p6  }
0x9a: {  	s23 =	simm.s32 $0x1;
	p0 =	por !p0, !p0  }
0x9b: {  	s22 =	sshrl.u32 s22, $0x4;
	s23 =	simm.s32 @!p0 $0x0  }
0x9c: {  	s22 =	ssub.s32 s22, s23  }
0x9d: {  	s22 =	sshll.u32 s22, $0x4  }
0x9e: {  	v6 =	vld [tilespmem:s22+$0x0]  }
0x9f: {  	v7 =	vld [tilespmem:s22+$0x4000]  }
0xa0: {  	s21 =	sand.u32 $0xF, s21;
	v8 =	vld [tilespmem:s22+$0x8000]  }
0xa1: {  	v9 =	vmov s21  }
0xa2: {  	vm1 =	veq.s32 v9, v1  }
0xa3: {  	v6 =	vnsel vm1, $0xF149F2CA, v6  }
0xa4: {  	(xrf0) =	vmax.scan.msk.f32 $0xffff, v6;
	v6 =	vnsel vm1, $0xF149F2CA, v7  }
0xa5: {  	(xrf0) =	vmax.scan.msk.f32 $0xffff, v6;
	v6 =	vnsel vm1, $0xF149F2CA, v8  }
0xa6: {  	(xrf0) =	vmax.scan.msk.f32 $0xffff, v6;
	_ =	sdelay $0x3  }
0xa7: {  	v6, _, _ =	vpop (xrf0)  }
0xa8: {  	v7, _, _ =	vpop (xrf0);
	(v2sf) =	vpush v6, $0xF  }
0xa9: {  	(v2sf) =	vpush v7, $0xF;
	v6, _, _ =	vpop (xrf0)  }
0xaa: {  	(v2sf) =	vpush v6, $0xF;
	_ =	sdelay $0x8  }
0xab: {  	s19 =	sadd.s32 $0x1, s19  }
0xac: {  	p0 =	sne.s32 s19, $0x400  }
.Ltmp3:
0xad: {  	_ = 	snop;
	(pc) =	sbr.rel @p0 .LBB2_5-.Ltmp3, $4  }
0xae: {  	_ = 	snop  }
0xaf: {  	s21 =	spop (v2sf)  }
0xb0: {  	s23 =	spop (v2sf)  }
0xb1: {  	s22 =	spop (v2sf)  }
0xb2: {  	[hbm4b:s5+s2] =	stream.linear.scatter [tilespmem:s14], [sflag:$0x1], $0x400, $0x38;
	[tilespmem:$0x11000] =	vst v63  }
0xb3: {  	_ =	swait.ge [sflag:s11], $0x400  }
0xb4: {  	[sflag:s11] =	ssyncset.done $0x0  }
0xb5: {  	[sflag:s11] =	ssyncadd.s32 $0xFFFFFC00  }
0xb6: {  	[hbm4b:s6+s2] =	stream.linear.scatter [tilespmem:s15], [sflag:$0x1], $0x400, $0x38;
	[tilespmem:$0x11000] =	vst v63  }
0xb7: {  	_ =	swait.ge [sflag:s11], $0x400  }
0xb8: {  	[sflag:s11] =	ssyncset.done $0x0  }
0xb9: {  	[sflag:s11] =	ssyncadd.s32 $0xFFFFFC00  }
0xba: {  	[hbm4b:s7+s2] =	stream.linear.scatter [tilespmem:s16], [sflag:$0x1], $0x400, $0x38;
	[tilespmem:$0x11000] =	vst v63  }
0xbb: {  	s18 =	sadd.s32 $0x1, s18;
	_ =	swait.ge [sflag:s11], $0x400  }
0xbc: {  	p0 =	sne.s32 s18, s10;
	[sflag:s11] =	ssyncset.done $0x0  }
.Ltmp4:
0xbd: {  	[sflag:s11] =	ssyncadd.s32 $0xFFFFFC00;
	(pc) =	sbr.rel @p0 .LBB2_2-.Ltmp4, $4  }
0xbe: {  	[hbm4b:s8+s2] =	stream.linear.scatter [tilespmem:s17], [sflag:$0x1], $0x400, $0x38;
	[tilespmem:$0x11000] =	vst v63  }
0xbf: {  	_ =	swait.ge [sflag:s11], $0x400  }
0xc0: {  	[sflag:s11] =	ssyncset.done $0x0  }
0xc1: {  	[sflag:s11] =	ssyncadd.s32 $0xFFFFFC00  }
.LBB2_9:
0xc2: {  	_ =	sfence.sel $0x180000  }
0xc3: {  	[bflag:$0x0] =	sbarrier.arrive $0xFFFF  }
0xc4: {  	p0 =	sne.s32 s1, $0x0;
	_ =	strace $0x90000047  }
0xc5: {  	s0 =	sadd.s32 @!p0 $0x100000, s0;
	[bflag:$0x2] =	sbarrier.arrive $0xFFFF  }
0xc6: {  	[sflag:s0] =	ssyncadd.tile.s32 @!p0 $0x1;
	_ =	shalt  }
.Lfunc_end2:
_tile_overlayer_lowered:
.L_overlay_start_2:
0xc7: {  	(tag) =	ssettag $0x2  }
0xc8: {  	s0 =	rddreg [dreg:$0x0];
	s2 =	stileid.u32  }
0xc9: {  	s1 =	rddreg [dreg:$0x1];
	p0 =	sne.s32 s2, $0x0  }
0xca: {  	s3 =	rddreg [dreg:$0x2];
	[bflag:$0x3] =	sbarrier.arrive $0xFFFF;
	s2 =	simm.s32 @!p0 $0x1C01  }
0xcb: {  	[timem:s3], [sflag:s2] =	dma.local @!p0 [hbm:s0], s1  }
0xcc: {  	s0 =	simm.s32 @!p0 $0x1  }
0xcd: {  	_ =	swait.ge @!p0 [sflag:s0], s1  }
0xce: {  	s1 =	ssub.s32 @!p0 $0x0, s1;
	[sflag:s0] =	ssyncset.done @!p0 $0x0  }
0xcf: {  	[sflag:s0] =	ssyncadd.s32 @!p0 s1  }
0xd0: {  	[bflag:$0x3] =	sbarrier.arrive $0xFFFF  }
0xd1: {  	_ =	shalt  }

</sc_bundles>
